<compile_context>
chip_gen: v7x
topology: tpu7x:2x2x1
jax: 0.10.2.dev20260603
libtpu: 0.0.44.dev20260713+nightly
codegen_flags: <defaults>
</compile_context>

<pallas_src>
import functools

import jax
import jax.numpy as jnp
from jax import lax
from jax.experimental import pallas as pl
from jax.experimental.pallas import tpu as pltpu
from jax.experimental.pallas import tpu_sc as plsc

N = 10000
D = 128
E = 320000
NC = 2
NS = 16
NW = NC * NS
CH = 112
UN = 3
NITER = 30
NSUB = UN * NITER
EPAD = NW * NSUB * CH
NPAD = 10240
ZR = NPAD // NS

_mesh = plsc.VectorSubcoreMesh(core_axis_name="c", subcore_axis_name="s")


@functools.partial(
    pl.kernel,
    out_type=jax.ShapeDtypeStruct((NC, NPAD), jnp.float32),
    mesh=_mesh,
    scratch_types=[
        pltpu.VMEM((NITER, UN, 2, CH), jnp.int32),
        pltpu.VMEM((CH,), jnp.float32),
        pltpu.VMEM((ZR,), jnp.float32),
        pltpu.VMEM_SHARED((NPAD,), jnp.float32),
    ],
)
def _sc_count(eidx_hbm, cnt_hbm, idx_v, ones_v, zed_v, acc_sh):
    c = lax.axis_index("c")
    s = lax.axis_index("s")
    w = c * NS + s
    for i in range(CH // 16):
        ones_v[pl.ds(i * 16, 16)] = jnp.ones((16,), jnp.float32)
    for i in range(ZR // 16):
        zed_v[pl.ds(i * 16, 16)] = jnp.zeros((16,), jnp.float32)
    pltpu.sync_copy(zed_v, acc_sh.at[pl.ds(s * ZR, ZR)])
    pltpu.sync_copy(eidx_hbm.at[w], idx_v)
    plsc.subcore_barrier()

    def body(t, carry):
        for u in range(UN):
            pltpu.sync_copy(ones_v, acc_sh.at[idx_v.at[t, u, 1]], add=True)
        return carry

    lax.fori_loop(0, NITER, body, 0)
    plsc.subcore_barrier()
    pltpu.sync_copy(acc_sh.at[pl.ds(s * ZR, ZR)], cnt_hbm.at[c, pl.ds(s * ZR, ZR)])


@functools.partial(
    pl.kernel,
    out_type=jax.ShapeDtypeStruct((NC, NPAD, D), jnp.float32),
    mesh=_mesh,
    scratch_types=[
        pltpu.VMEM((2, UN, 2, CH), jnp.int32),
        pltpu.VMEM((CH, D), jnp.float32),
        pltpu.VMEM((CH, D), jnp.float32),
        pltpu.VMEM((CH, D), jnp.float32),
        pltpu.VMEM_SHARED((NPAD, D), jnp.float32),
        pltpu.SemaphoreType.DMA,
        pltpu.SemaphoreType.DMA,
        pltpu.SemaphoreType.DMA,
        pltpu.SemaphoreType.DMA,
        pltpu.SemaphoreType.DMA,
        pltpu.SemaphoreType.DMA,
        pltpu.SemaphoreType.DMA,
    ],
)
def _sc_scatter(g_hbm, eidx_hbm, zrow_hbm, out_hbm,
                ring_v, r0, r1, r2, acc_sh,
                sg0, sg1, sg2, ss0, ss1, ss2, si):
    c = lax.axis_index("c")
    s = lax.axis_index("s")
    w = c * NS + s
    tile_idx = eidx_hbm.at[w]
    pltpu.sync_copy(zrow_hbm, acc_sh.at[pl.ds(s * ZR, ZR)])
    pltpu.sync_copy(tile_idx.at[0], ring_v.at[0])
    plsc.subcore_barrier()

    pltpu.async_copy(g_hbm.at[ring_v.at[0, 0, 0]], r0, sg0)
    pltpu.async_copy(g_hbm.at[ring_v.at[0, 1, 0]], r1, sg1)

    def it(t, carry):
        q = t % 2
        qn = (t + 1) % 2
        live = t + 1 < NITER

        pltpu.make_async_copy(g_hbm.at[ring_v.at[q, 0, 0]], r0, sg0).wait()
        pltpu.async_copy(r0, acc_sh.at[ring_v.at[q, 0, 1]], ss0, add=True)

        @pl.when(t > 0)
        def _():
            pltpu.make_async_copy(r2, acc_sh.at[ring_v.at[qn, 2, 1]], ss2).wait()

        @pl.when(live)
        def _():
            pltpu.async_copy(tile_idx.at[t + 1], ring_v.at[qn], si)
        pltpu.async_copy(g_hbm.at[ring_v.at[q, 2, 0]], r2, sg2)

        pltpu.make_async_copy(g_hbm.at[ring_v.at[q, 1, 0]], r1, sg1).wait()
        pltpu.async_copy(r1, acc_sh.at[ring_v.at[q, 1, 1]], ss1, add=True)
        pltpu.make_async_copy(r0, acc_sh.at[ring_v.at[q, 0, 1]], ss0).wait()

        @pl.when(live)
        def _():
            pltpu.make_async_copy(tile_idx.at[t + 1], ring_v.at[qn], si).wait()
            pltpu.async_copy(g_hbm.at[ring_v.at[qn, 0, 0]], r0, sg0)

        pltpu.make_async_copy(g_hbm.at[ring_v.at[q, 2, 0]], r2, sg2).wait()
        pltpu.async_copy(r2, acc_sh.at[ring_v.at[q, 2, 1]], ss2, add=True)
        pltpu.make_async_copy(r1, acc_sh.at[ring_v.at[q, 1, 1]], ss1).wait()

        @pl.when(live)
        def _():
            pltpu.async_copy(g_hbm.at[ring_v.at[qn, 1, 0]], r1, sg1)

        return carry

    lax.fori_loop(0, NITER, it, 0)
    pltpu.make_async_copy(r2, acc_sh.at[ring_v.at[(NITER - 1) % 2, 2, 1]],
                          ss2).wait()
    plsc.subcore_barrier()
    pltpu.sync_copy(acc_sh.at[pl.ds(s * ZR, ZR)], out_hbm.at[c, pl.ds(s * ZR, ZR)])


RB = 5000


def _dis(cnt_ref):
    return lax.rsqrt(cnt_ref[0] + cnt_ref[1] + 1.0)


def _pre_body(x_ref, w_ref, cnt_ref, g_ref):
    g_ref[...] = jnp.dot(x_ref[...], w_ref[...],
                         preferred_element_type=jnp.float32) * _dis(cnt_ref)


def _mid_body(s_ref, g_ref, cnt_ref, w_ref, b_ref, out_ref):
    dis = _dis(cnt_ref)
    p = dis * (s_ref[0] + s_ref[1] + g_ref[...]) + b_ref[...]
    h = jnp.maximum(p, 0.0)
    out_ref[...] = jnp.dot(h, w_ref[...],
                           preferred_element_type=jnp.float32) * dis


def _post_body(s_ref, g_ref, cnt_ref, b_ref, out_ref):
    dis = _dis(cnt_ref)
    out_ref[...] = dis * (s_ref[0] + s_ref[1] + g_ref[...]) + b_ref[...]


_s_spec = pl.BlockSpec((NC, RB, D), lambda r: (0, r, 0))
_row_spec = pl.BlockSpec((RB, D), lambda r: (r, 0))
_w_spec = pl.BlockSpec((D, D), lambda r: (0, 0))
_cnt_spec = pl.BlockSpec((NC, RB, 1), lambda r: (0, r, 0))
_b_spec = pl.BlockSpec((1, D), lambda r: (0, 0))
_out_row = jax.ShapeDtypeStruct((N, D), jnp.float32)

_pre = pl.pallas_call(
    _pre_body,
    grid=(N // RB,),
    in_specs=[_row_spec, _w_spec, _cnt_spec],
    out_specs=_row_spec,
    out_shape=_out_row,
)

_mid = pl.pallas_call(
    _mid_body,
    grid=(N // RB,),
    in_specs=[_s_spec, _row_spec, _cnt_spec, _w_spec, _b_spec],
    out_specs=_row_spec,
    out_shape=_out_row,
)

_post = pl.pallas_call(
    _post_body,
    grid=(N // RB,),
    in_specs=[_s_spec, _row_spec, _cnt_spec, _b_spec],
    out_specs=_row_spec,
    out_shape=_out_row,
)


@jax.jit
def kernel(x, edge_index, W1, b1, W2, b2):
    ei = edge_index.astype(jnp.int32)
    npd = EPAD - E
    pad_src = jnp.arange(npd, dtype=jnp.int32) % N
    pad_dst = N + (jnp.arange(npd, dtype=jnp.int32) % (NPAD - N))
    srcp = jnp.concatenate([ei[0], pad_src]).reshape(NW, NITER, UN, CH)
    dstp = jnp.concatenate([ei[1], pad_dst]).reshape(NW, NITER, UN, CH)
    eidx = jnp.stack([srcp, dstp], axis=3)
    zrow = jnp.zeros((ZR, D), jnp.float32)
    b1r = b1.reshape(1, D)
    b2r = b2.reshape(1, D)

    cnt = _sc_count(eidx)
    cnt3 = cnt.reshape(NC, NPAD, 1)
    g1 = _pre(x, W1, cnt3)
    s1 = _sc_scatter(g1, eidx, zrow)
    g2 = _mid(s1, g1, cnt3, W2, b1r)
    s2 = _sc_scatter(g2, eidx, zrow)
    return _post(s2, g2, cnt3, b2r)

# --- scband reference (transcript-rebuilt; emitter-appended) ---
"""Pipeline reference for scband-gnn-7730941133279 (READ-ONLY COPY).

The authoritative reference and input builder live on the scoring server;
editing this copy changes nothing except your own understanding.
"""

import jax, jax.numpy as jnp
import numpy as np

N_NODES = 10000
D_FEAT = 128
N_EDGES = 320000


def gcn_conv(x, edge_index, W, b, n_nodes):
    # GCNConv: add self-loops, symmetric normalization, linear transform, scatter-add aggregation
    loop = jnp.arange(n_nodes, dtype=edge_index.dtype)
    src = jnp.concatenate([edge_index[0], loop])
    dst = jnp.concatenate([edge_index[1], loop])
    ones = jnp.ones(src.shape[0], dtype=x.dtype)
    deg = jax.ops.segment_sum(ones, dst, num_segments=n_nodes)
    deg_inv_sqrt = jnp.where(deg > 0, jax.lax.rsqrt(jnp.maximum(deg, 1e-12)), 0.0)
    norm = deg_inv_sqrt[src] * deg_inv_sqrt[dst]
    h = x @ W  # dense transform [N, d_out]
    msg = h[src] * norm[:, None]  # gather + scale
    out = jax.ops.segment_sum(msg, dst, num_segments=n_nodes)  # scatter-add
    return out + b


def setup_inputs(seed: int = 0) -> dict:
    key = jax.random.key(seed)
    k1, k2, k3, k4 = jax.random.split(key, 4)
    x = jax.random.normal(k1, (N_NODES, D_FEAT), dtype=jnp.float32)
    edge_index = jax.random.randint(k2, (2, N_EDGES), 0, N_NODES, dtype=jnp.int64)
    # Glorot-style init for the two GCNConv layers
    s = 1.0 / np.sqrt(D_FEAT)
    W1 = jax.random.uniform(k3, (D_FEAT, D_FEAT), dtype=jnp.float32, minval=-s, maxval=s)
    b1 = jnp.zeros((D_FEAT,), dtype=jnp.float32)
    W2 = jax.random.uniform(k4, (D_FEAT, D_FEAT), dtype=jnp.float32, minval=-s, maxval=s)
    b2 = jnp.zeros((D_FEAT,), dtype=jnp.float32)
    return {"x": x, "edge_index": edge_index, "W1": W1, "b1": b1, "W2": W2, "b2": b2}


def reference(x, edge_index, W1, b1, W2, b2):
    # forward of GNN(layers=[GCNConv(128,128), ReLU(), GCNConv(128,128)])
    h = gcn_conv(x, edge_index, W1, b1, N_NODES)
    h = jax.nn.relu(h)
    out = gcn_conv(h, edge_index, W2, b2, N_NODES)
    return out

if __name__ == "__main__":
    import jax
    _d = setup_inputs()
    print(jax.jit(kernel)(*tuple(_d.values())))

</pallas_src>

<mosaic_0001>
#map = affine_map<(d0, d1) -> (0, 0)>
#map1 = affine_map<(d0, d1) -> (0, 0, 0, 0, 0)>
#map2 = affine_map<(d0, d1) -> (0, 0, 0)>
module attributes {stable_mosaic.version = 14 : i64} {
  func.func @_sc_scatter(%arg0: i32, %arg1: i32, %arg2: memref<10000x128xf32, #tpu.memory_space<hbm>>, %arg3: memref<32x30x3x2x112xi32, #tpu.memory_space<hbm>>, %arg4: memref<640x128xf32, #tpu.memory_space<hbm>>, %arg5: memref<2x10240x128xf32, #tpu.memory_space<hbm>>, %arg6: memref<2x3x2x112xi32, #tpu.memory_space<vmem>>, %arg7: memref<112x128xf32, #tpu.memory_space<vmem>>, %arg8: memref<112x128xf32, #tpu.memory_space<vmem>>, %arg9: memref<112x128xf32, #tpu.memory_space<vmem>>, %arg10: memref<10240x128xf32, #tpu.memory_space<vmem_shared>>, %arg11: memref<!tpu.dma_semaphore, #tpu.memory_space<semaphore_mem>>, %arg12: memref<!tpu.dma_semaphore, #tpu.memory_space<semaphore_mem>>, %arg13: memref<!tpu.dma_semaphore, #tpu.memory_space<semaphore_mem>>, %arg14: memref<!tpu.dma_semaphore, #tpu.memory_space<semaphore_mem>>, %arg15: memref<!tpu.dma_semaphore, #tpu.memory_space<semaphore_mem>>, %arg16: memref<!tpu.dma_semaphore, #tpu.memory_space<semaphore_mem>>, %arg17: memref<!tpu.dma_semaphore, #tpu.memory_space<semaphore_mem>>) attributes {dimension_semantics = [#tpu.dimension_semantics<core_parallel>, #tpu.dimension_semantics<subcore_parallel>], iteration_bounds = array<i64: 2, 16>, scalar_prefetch = 0 : i64, scratch_operands = 12 : i64, tpu.core_type = #tpu.core_type<sc_vector_subcore>, window_params = [{transform_indices = #map}, {transform_indices = #map1}, {transform_indices = #map}, {transform_indices = #map2}]} {
    %mul3A = arith.constant 16 : i32
    %mul3A_0 = arith.muli %arg0, %mul3A : i32
    %add3A = arith.addi %mul3A_0, %arg1 : i32
    %mul3A_1 = arith.constant 640 : i32
    %mul3A_2 = arith.muli %arg1, %mul3A_1 : i32
    "tpu.region"() ({
      %run_scoped3A_39 = tpu.sem_alloc : memref<!tpu.dma_semaphore, #tpu.memory_space<semaphore_mem>>
      %dma_start3A_40 = arith.constant 0 : i32
      %dma_start3A_41 = tpu.memref_slice %arg10[%mul3A_2, %dma_start3A_40] : memref<10240x128xf32, #tpu.memory_space<vmem_shared>> -> memref<640x128xf32, #tpu.memory_space<vmem_shared>>
      tpu.enqueue_dma source(%arg4 : memref<640x128xf32, #tpu.memory_space<hbm>>) target(%dma_start3A_41 : memref<640x128xf32, #tpu.memory_space<vmem_shared>>) target_semaphore(%run_scoped3A_39 : memref<!tpu.dma_semaphore, #tpu.memory_space<semaphore_mem>>)
      %dma_wait3A_42 = arith.constant 0 : i32
      %dma_wait3A_43 = tpu.memref_slice %arg10[%mul3A_2, %dma_wait3A_42] : memref<10240x128xf32, #tpu.memory_space<vmem_shared>> -> memref<640x128xf32, #tpu.memory_space<vmem_shared>>
      tpu.wait_dma2 semaphore(%run_scoped3A_39 : memref<!tpu.dma_semaphore, #tpu.memory_space<semaphore_mem>>) src(%arg4 : memref<640x128xf32, #tpu.memory_space<hbm>>) dst(%dma_wait3A_43 : memref<640x128xf32, #tpu.memory_space<vmem_shared>>)
      tpu.yield
    }) : () -> ()
    %run_scoped3A = arith.constant 0 : i32
    %run_scoped3A_3 = arith.constant 0 : i32
    "tpu.region"() ({
      %run_scoped3A_39 = tpu.sem_alloc : memref<!tpu.dma_semaphore, #tpu.memory_space<semaphore_mem>>
      %dma_start3A_40 = arith.constant 0 : i32
      %dma_start3A_41 = arith.constant 0 : i32
      %dma_start3A_42 = arith.constant 0 : i32
      %dma_start3A_43 = tpu.memref_slice %arg6[%run_scoped3A_3, %dma_start3A_40, %dma_start3A_41, %dma_start3A_42] : memref<2x3x2x112xi32, #tpu.memory_space<vmem>> -> memref<1x3x2x112xi32, #tpu.memory_space<vmem>>
      %dma_start3A_44 = tpu.memref_squeeze %dma_start3A_43 : memref<1x3x2x112xi32, #tpu.memory_space<vmem>> -> memref<3x2x112xi32, #tpu.memory_space<vmem>>
      %dma_start3A_45 = arith.constant 0 : i32
      %dma_start3A_46 = arith.constant 0 : i32
      %dma_start3A_47 = arith.constant 0 : i32
      %dma_start3A_48 = arith.constant 0 : i32
      %dma_start3A_49 = tpu.memref_slice %arg3[%add3A, %dma_start3A_45, %dma_start3A_46, %dma_start3A_47, %dma_start3A_48] : memref<32x30x3x2x112xi32, #tpu.memory_space<hbm>> -> memref<1x30x3x2x112xi32, #tpu.memory_space<hbm>>
      %dma_start3A_50 = tpu.memref_squeeze %dma_start3A_49 : memref<1x30x3x2x112xi32, #tpu.memory_space<hbm>> -> memref<30x3x2x112xi32, #tpu.memory_space<hbm>>
      %dma_start3A_51 = arith.constant 0 : i32
      %dma_start3A_52 = arith.constant 0 : i32
      %dma_start3A_53 = arith.constant 0 : i32
      %dma_start3A_54 = tpu.memref_slice %dma_start3A_50[%run_scoped3A, %dma_start3A_51, %dma_start3A_52, %dma_start3A_53] : memref<30x3x2x112xi32, #tpu.memory_space<hbm>> -> memref<1x3x2x112xi32, #tpu.memory_space<hbm>>
      %dma_start3A_55 = tpu.memref_squeeze %dma_start3A_54 : memref<1x3x2x112xi32, #tpu.memory_space<hbm>> -> memref<3x2x112xi32, #tpu.memory_space<hbm>>
      %dma_start3A_56 = arith.constant 0 : i32
      %dma_start3A_57 = arith.constant 0 : i32
      %dma_start3A_58 = arith.constant 0 : i32
      %dma_start3A_59 = tpu.memref_slice %arg6[%run_scoped3A_3, %dma_start3A_56, %dma_start3A_57, %dma_start3A_58] : memref<2x3x2x112xi32, #tpu.memory_space<vmem>> -> memref<1x3x2x112xi32, #tpu.memory_space<vmem>>
      %dma_start3A_60 = tpu.memref_squeeze %dma_start3A_59 : memref<1x3x2x112xi32, #tpu.memory_space<vmem>> -> memref<3x2x112xi32, #tpu.memory_space<vmem>>
      %dma_start3A_61 = arith.constant 0 : i32
      %dma_start3A_62 = arith.constant 0 : i32
      %dma_start3A_63 = arith.constant 0 : i32
      %dma_start3A_64 = arith.constant 0 : i32
      %dma_start3A_65 = tpu.memref_slice %arg3[%add3A, %dma_start3A_61, %dma_start3A_62, %dma_start3A_63, %dma_start3A_64] : memref<32x30x3x2x112xi32, #tpu.memory_space<hbm>> -> memref<1x30x3x2x112xi32, #tpu.memory_space<hbm>>
      %dma_start3A_66 = tpu.memref_squeeze %dma_start3A_65 : memref<1x30x3x2x112xi32, #tpu.memory_space<hbm>> -> memref<30x3x2x112xi32, #tpu.memory_space<hbm>>
      %dma_start3A_67 = arith.constant 0 : i32
      %dma_start3A_68 = arith.constant 0 : i32
      %dma_start3A_69 = arith.constant 0 : i32
      %dma_start3A_70 = tpu.memref_slice %dma_start3A_66[%run_scoped3A, %dma_start3A_67, %dma_start3A_68, %dma_start3A_69] : memref<30x3x2x112xi32, #tpu.memory_space<hbm>> -> memref<1x3x2x112xi32, #tpu.memory_space<hbm>>
      %dma_start3A_71 = tpu.memref_squeeze %dma_start3A_70 : memref<1x3x2x112xi32, #tpu.memory_space<hbm>> -> memref<3x2x112xi32, #tpu.memory_space<hbm>>
      tpu.enqueue_dma source(%dma_start3A_71 : memref<3x2x112xi32, #tpu.memory_space<hbm>>) target(%dma_start3A_60 : memref<3x2x112xi32, #tpu.memory_space<vmem>>) target_semaphore(%run_scoped3A_39 : memref<!tpu.dma_semaphore, #tpu.memory_space<semaphore_mem>>)
      %dma_wait3A_72 = arith.constant 0 : i32
      %dma_wait3A_73 = arith.constant 0 : i32
      %dma_wait3A_74 = arith.constant 0 : i32
      %dma_wait3A_75 = tpu.memref_slice %arg6[%run_scoped3A_3, %dma_wait3A_72, %dma_wait3A_73, %dma_wait3A_74] : memref<2x3x2x112xi32, #tpu.memory_space<vmem>> -> memref<1x3x2x112xi32, #tpu.memory_space<vmem>>
      %dma_wait3A_76 = tpu.memref_squeeze %dma_wait3A_75 : memref<1x3x2x112xi32, #tpu.memory_space<vmem>> -> memref<3x2x112xi32, #tpu.memory_space<vmem>>
      %dma_wait3A_77 = arith.constant 0 : i32
      %dma_wait3A_78 = arith.constant 0 : i32
      %dma_wait3A_79 = arith.constant 0 : i32
      %dma_wait3A_80 = arith.constant 0 : i32
      %dma_wait3A_81 = tpu.memref_slice %arg3[%add3A, %dma_wait3A_77, %dma_wait3A_78, %dma_wait3A_79, %dma_wait3A_80] : memref<32x30x3x2x112xi32, #tpu.memory_space<hbm>> -> memref<1x30x3x2x112xi32, #tpu.memory_space<hbm>>
      %dma_wait3A_82 = tpu.memref_squeeze %dma_wait3A_81 : memref<1x30x3x2x112xi32, #tpu.memory_space<hbm>> -> memref<30x3x2x112xi32, #tpu.memory_space<hbm>>
      %dma_wait3A_83 = arith.constant 0 : i32
      %dma_wait3A_84 = arith.constant 0 : i32
      %dma_wait3A_85 = arith.constant 0 : i32
      %dma_wait3A_86 = tpu.memref_slice %dma_wait3A_82[%run_scoped3A, %dma_wait3A_83, %dma_wait3A_84, %dma_wait3A_85] : memref<30x3x2x112xi32, #tpu.memory_space<hbm>> -> memref<1x3x2x112xi32, #tpu.memory_space<hbm>>
      %dma_wait3A_87 = tpu.memref_squeeze %dma_wait3A_86 : memref<1x3x2x112xi32, #tpu.memory_space<hbm>> -> memref<3x2x112xi32, #tpu.memory_space<hbm>>
      %dma_wait3A_88 = arith.constant 0 : i32
      %dma_wait3A_89 = arith.constant 0 : i32
      %dma_wait3A_90 = arith.constant 0 : i32
      %dma_wait3A_91 = tpu.memref_slice %arg6[%run_scoped3A_3, %dma_wait3A_88, %dma_wait3A_89, %dma_wait3A_90] : memref<2x3x2x112xi32, #tpu.memory_space<vmem>> -> memref<1x3x2x112xi32, #tpu.memory_space<vmem>>
      %dma_wait3A_92 = tpu.memref_squeeze %dma_wait3A_91 : memref<1x3x2x112xi32, #tpu.memory_space<vmem>> -> memref<3x2x112xi32, #tpu.memory_space<vmem>>
      %dma_wait3A_93 = arith.constant 0 : i32
      %dma_wait3A_94 = arith.constant 0 : i32
      %dma_wait3A_95 = arith.constant 0 : i32
      %dma_wait3A_96 = arith.constant 0 : i32
      %dma_wait3A_97 = tpu.memref_slice %arg3[%add3A, %dma_wait3A_93, %dma_wait3A_94, %dma_wait3A_95, %dma_wait3A_96] : memref<32x30x3x2x112xi32, #tpu.memory_space<hbm>> -> memref<1x30x3x2x112xi32, #tpu.memory_space<hbm>>
      %dma_wait3A_98 = tpu.memref_squeeze %dma_wait3A_97 : memref<1x30x3x2x112xi32, #tpu.memory_space<hbm>> -> memref<30x3x2x112xi32, #tpu.memory_space<hbm>>
      %dma_wait3A_99 = arith.constant 0 : i32
      %dma_wait3A_100 = arith.constant 0 : i32
      %dma_wait3A_101 = arith.constant 0 : i32
      %dma_wait3A_102 = tpu.memref_slice %dma_wait3A_98[%run_scoped3A, %dma_wait3A_99, %dma_wait3A_100, %dma_wait3A_101] : memref<30x3x2x112xi32, #tpu.memory_space<hbm>> -> memref<1x3x2x112xi32, #tpu.memory_space<hbm>>
      %dma_wait3A_103 = tpu.memref_squeeze %dma_wait3A_102 : memref<1x3x2x112xi32, #tpu.memory_space<hbm>> -> memref<3x2x112xi32, #tpu.memory_space<hbm>>
      tpu.wait_dma2 semaphore(%run_scoped3A_39 : memref<!tpu.dma_semaphore, #tpu.memory_space<semaphore_mem>>) src(%dma_wait3A_103 : memref<3x2x112xi32, #tpu.memory_space<hbm>>) dst(%dma_wait3A_92 : memref<3x2x112xi32, #tpu.memory_space<vmem>>)
      tpu.yield
    }) : () -> ()
    %barrier3A = arith.constant 0 : index
    tpu.barrier barrier_id(%barrier3A)
    %dma_start3A = arith.constant 0 : i32
    %dma_start3A_4 = arith.constant 0 : i32
    %dma_start3A_5 = arith.constant 0 : i32
    %dma_start3A_6 = arith.constant 0 : i32
    %dma_start3A_7 = tpu.memref_slice %arg6[%dma_start3A, %dma_start3A_4, %dma_start3A_5, %dma_start3A_6] : memref<2x3x2x112xi32, #tpu.memory_space<vmem>> -> memref<1x1x1x112xi32, #tpu.memory_space<vmem>>
    %dma_start3A_8 = tpu.memref_squeeze %dma_start3A_7 : memref<1x1x1x112xi32, #tpu.memory_space<vmem>> -> memref<112xi32, #tpu.memory_space<vmem>>
    %dma_start3A_9 = arith.constant 0 : i32
    %dma_start3A_10 = arith.constant 0 : i32
    %dma_start3A_11 = tpu.memref_slice %arg2[%dma_start3A_9, %dma_start3A_10] : memref<10000x128xf32, #tpu.memory_space<hbm>> -> memref<10000x128xf32, #tpu.memory_space<hbm>>
    tpu.enqueue_indirect_dma source(%dma_start3A_11 : memref<10000x128xf32, #tpu.memory_space<hbm>>) target(%arg7 : memref<112x128xf32, #tpu.memory_space<vmem>>) offsets(%dma_start3A_8 : memref<112xi32, #tpu.memory_space<vmem>>) semaphore(%arg11 : memref<!tpu.dma_semaphore, #tpu.memory_space<semaphore_mem>>)
    %dma_start3A_12 = arith.constant 0 : i32
    %dma_start3A_13 = arith.constant 1 : i32
    %dma_start3A_14 = arith.constant 0 : i32
    %dma_start3A_15 = arith.constant 0 : i32
    %dma_start3A_16 = tpu.memref_slice %arg6[%dma_start3A_12, %dma_start3A_13, %dma_start3A_14, %dma_start3A_15] : memref<2x3x2x112xi32, #tpu.memory_space<vmem>> -> memref<1x1x1x112xi32, #tpu.memory_space<vmem>>
    %dma_start3A_17 = tpu.memref_squeeze %dma_start3A_16 : memref<1x1x1x112xi32, #tpu.memory_space<vmem>> -> memref<112xi32, #tpu.memory_space<vmem>>
    %dma_start3A_18 = arith.constant 0 : i32
    %dma_start3A_19 = arith.constant 0 : i32
    %dma_start3A_20 = tpu.memref_slice %arg2[%dma_start3A_18, %dma_start3A_19] : memref<10000x128xf32, #tpu.memory_space<hbm>> -> memref<10000x128xf32, #tpu.memory_space<hbm>>
    tpu.enqueue_indirect_dma source(%dma_start3A_20 : memref<10000x128xf32, #tpu.memory_space<hbm>>) target(%arg8 : memref<112x128xf32, #tpu.memory_space<vmem>>) offsets(%dma_start3A_17 : memref<112xi32, #tpu.memory_space<vmem>>) semaphore(%arg12 : memref<!tpu.dma_semaphore, #tpu.memory_space<semaphore_mem>>)
    %scan3A = arith.constant 0 : i32
    %scan3A_21 = arith.constant 0 : i32
    %scan3A_22 = arith.constant 30 : i32
    %scan3A_23 = arith.addi %scan3A_21, %scan3A_22 : i32
    %scan3A_24 = arith.constant 1 : i32
    scf.for %scan3A_39 = %scan3A_21 to %scan3A_23 step %scan3A_24  : i32 {
      %jit3A = arith.constant 2 : i32
      %eq3A = arith.constant 0 : i32
      %eq3A_40 = arith.cmpi eq, %jit3A, %eq3A : i32
      %jit3A_41 = arith.constant 1 : i32
      %select_n3A = arith.select %eq3A_40, %jit3A_41, %jit3A : i32
      %rem3A = arith.remsi %scan3A_39, %select_n3A : i32
      %ne3A = arith.constant 0 : i32
      %ne3A_42 = arith.cmpi ne, %rem3A, %ne3A : i32
      %lt3A = arith.constant 0 : i32
      %lt3A_43 = arith.cmpi slt, %rem3A, %lt3A : i32
      %lt3A_44 = arith.constant 0 : i32
      %lt3A_45 = arith.cmpi slt, %select_n3A, %lt3A_44 : i32
      %ne3A_46 = arith.xori %lt3A_43, %lt3A_45 : i1
      %and3A = arith.andi %ne3A_46, %ne3A_42 : i1
      %add3A_47 = arith.addi %rem3A, %select_n3A : i32
      %select_n3A_48 = arith.select %and3A, %add3A_47, %rem3A : i32
      %add3A_49 = arith.constant 1 : i32
      %add3A_50 = arith.addi %scan3A_39, %add3A_49 : i32
      %jit3A_51 = arith.constant 2 : i32
      %eq3A_52 = arith.constant 0 : i32
      %eq3A_53 = arith.cmpi eq, %jit3A_51, %eq3A_52 : i32
      %jit3A_54 = arith.constant 1 : i32
      %select_n3A_55 = arith.select %eq3A_53, %jit3A_54, %jit3A_51 : i32
      %rem3A_56 = arith.remsi %add3A_50, %select_n3A_55 : i32
      %ne3A_57 = arith.constant 0 : i32
      %ne3A_58 = arith.cmpi ne, %rem3A_56, %ne3A_57 : i32
      %lt3A_59 = arith.constant 0 : i32
      %lt3A_60 = arith.cmpi slt, %rem3A_56, %lt3A_59 : i32
      %lt3A_61 = arith.constant 0 : i32
      %lt3A_62 = arith.cmpi slt, %select_n3A_55, %lt3A_61 : i32
      %ne3A_63 = arith.xori %lt3A_60, %lt3A_62 : i1
      %and3A_64 = arith.andi %ne3A_63, %ne3A_58 : i1
      %add3A_65 = arith.addi %rem3A_56, %select_n3A_55 : i32
      %select_n3A_66 = arith.select %and3A_64, %add3A_65, %rem3A_56 : i32
      %add3A_67 = arith.constant 1 : i32
      %add3A_68 = arith.addi %scan3A_39, %add3A_67 : i32
      %lt3A_69 = arith.constant 30 : i32
      %lt3A_70 = arith.cmpi slt, %add3A_68, %lt3A_69 : i32
      %dma_wait3A_71 = arith.constant 0 : i32
      %dma_wait3A_72 = arith.constant 0 : i32
      %dma_wait3A_73 = arith.constant 0 : i32
      %dma_wait3A_74 = tpu.memref_slice %arg6[%select_n3A_48, %dma_wait3A_71, %dma_wait3A_72, %dma_wait3A_73] : memref<2x3x2x112xi32, #tpu.memory_space<vmem>> -> memref<1x1x1x112xi32, #tpu.memory_space<vmem>>
      %dma_wait3A_75 = tpu.memref_squeeze %dma_wait3A_74 : memref<1x1x1x112xi32, #tpu.memory_space<vmem>> -> memref<112xi32, #tpu.memory_space<vmem>>
      %dma_wait3A_76 = arith.constant 0 : i32
      %dma_wait3A_77 = arith.constant 0 : i32
      %dma_wait3A_78 = tpu.memref_slice %arg2[%dma_wait3A_76, %dma_wait3A_77] : memref<10000x128xf32, #tpu.memory_space<hbm>> -> memref<10000x128xf32, #tpu.memory_space<hbm>>
      tpu.wait_indirect_dma semaphore(%arg11 : memref<!tpu.dma_semaphore, #tpu.memory_space<semaphore_mem>>) src(%dma_wait3A_78 : memref<10000x128xf32, #tpu.memory_space<hbm>>) dst(%arg7 : memref<112x128xf32, #tpu.memory_space<vmem>>)
      %dma_start3A_79 = arith.constant 0 : i32
      %dma_start3A_80 = arith.constant 1 : i32
      %dma_start3A_81 = arith.constant 0 : i32
      %dma_start3A_82 = tpu.memref_slice %arg6[%select_n3A_48, %dma_start3A_79, %dma_start3A_80, %dma_start3A_81] : memref<2x3x2x112xi32, #tpu.memory_space<vmem>> -> memref<1x1x1x112xi32, #tpu.memory_space<vmem>>
      %dma_start3A_83 = tpu.memref_squeeze %dma_start3A_82 : memref<1x1x1x112xi32, #tpu.memory_space<vmem>> -> memref<112xi32, #tpu.memory_space<vmem>>
      %dma_start3A_84 = arith.constant 0 : i32
      %dma_start3A_85 = arith.constant 0 : i32
      %dma_start3A_86 = tpu.memref_slice %arg10[%dma_start3A_84, %dma_start3A_85] : memref<10240x128xf32, #tpu.memory_space<vmem_shared>> -> memref<10240x128xf32, #tpu.memory_space<vmem_shared>>
      tpu.enqueue_indirect_dma source(%arg7 : memref<112x128xf32, #tpu.memory_space<vmem>>) target(%dma_start3A_86 : memref<10240x128xf32, #tpu.memory_space<vmem_shared>>) offsets(%dma_start3A_83 : memref<112xi32, #tpu.memory_space<vmem>>) semaphore(%arg14 : memref<!tpu.dma_semaphore, #tpu.memory_space<semaphore_mem>>) {add = true}
      %gt3A = arith.constant 0 : i32
      %gt3A_87 = arith.cmpi sgt, %scan3A_39, %gt3A : i32
      %convert_element_type3A = arith.extui %gt3A_87 : i1 to i32
      %cond3A = arith.constant 0 : i32
      %cond3A_88 = arith.cmpi ne, %convert_element_type3A, %cond3A : i32
      scf.if %cond3A_88 {
        %dma_wait3A_154 = arith.constant 2 : i32
        %dma_wait3A_155 = arith.constant 1 : i32
        %dma_wait3A_156 = arith.constant 0 : i32
        %dma_wait3A_157 = tpu.memref_slice %arg6[%select_n3A_66, %dma_wait3A_154, %dma_wait3A_155, %dma_wait3A_156] : memref<2x3x2x112xi32, #tpu.memory_space<vmem>> -> memref<1x1x1x112xi32, #tpu.memory_space<vmem>>
        %dma_wait3A_158 = tpu.memref_squeeze %dma_wait3A_157 : memref<1x1x1x112xi32, #tpu.memory_space<vmem>> -> memref<112xi32, #tpu.memory_space<vmem>>
        %dma_wait3A_159 = arith.constant 0 : i32
        %dma_wait3A_160 = arith.constant 0 : i32
        %dma_wait3A_161 = tpu.memref_slice %arg10[%dma_wait3A_159, %dma_wait3A_160] : memref<10240x128xf32, #tpu.memory_space<vmem_shared>> -> memref<10240x128xf32, #tpu.memory_space<vmem_shared>>
        tpu.wait_indirect_dma semaphore(%arg16 : memref<!tpu.dma_semaphore, #tpu.memory_space<semaphore_mem>>) src(%arg9 : memref<112x128xf32, #tpu.memory_space<vmem>>) dst(%dma_wait3A_161 : memref<10240x128xf32, #tpu.memory_space<vmem_shared>>)
      } else {
      }
      %convert_element_type3A_89 = arith.extui %lt3A_70 : i1 to i32
      %cond3A_90 = arith.constant 0 : i32
      %cond3A_91 = arith.cmpi ne, %convert_element_type3A_89, %cond3A_90 : i32
      scf.if %cond3A_91 {
        %add3A_154 = arith.constant 1 : i32
        %add3A_155 = arith.addi %scan3A_39, %add3A_154 : i32
        %dma_start3A_156 = arith.constant 0 : i32
        %dma_start3A_157 = arith.constant 0 : i32
        %dma_start3A_158 = arith.constant 0 : i32
        %dma_start3A_159 = tpu.memref_slice %arg6[%select_n3A_66, %dma_start3A_156, %dma_start3A_157, %dma_start3A_158] : memref<2x3x2x112xi32, #tpu.memory_space<vmem>> -> memref<1x3x2x112xi32, #tpu.memory_space<vmem>>
        %dma_start3A_160 = tpu.memref_squeeze %dma_start3A_159 : memref<1x3x2x112xi32, #tpu.memory_space<vmem>> -> memref<3x2x112xi32, #tpu.memory_space<vmem>>
        %dma_start3A_161 = arith.constant 0 : i32
        %dma_start3A_162 = arith.constant 0 : i32
        %dma_start3A_163 = arith.constant 0 : i32
        %dma_start3A_164 = arith.constant 0 : i32
        %dma_start3A_165 = tpu.memref_slice %arg3[%add3A, %dma_start3A_161, %dma_start3A_162, %dma_start3A_163, %dma_start3A_164] : memref<32x30x3x2x112xi32, #tpu.memory_space<hbm>> -> memref<1x30x3x2x112xi32, #tpu.memory_space<hbm>>
        %dma_start3A_166 = tpu.memref_squeeze %dma_start3A_165 : memref<1x30x3x2x112xi32, #tpu.memory_space<hbm>> -> memref<30x3x2x112xi32, #tpu.memory_space<hbm>>
        %dma_start3A_167 = arith.constant 0 : i32
        %dma_start3A_168 = arith.constant 0 : i32
        %dma_start3A_169 = arith.constant 0 : i32
        %dma_start3A_170 = tpu.memref_slice %dma_start3A_166[%add3A_155, %dma_start3A_167, %dma_start3A_168, %dma_start3A_169] : memref<30x3x2x112xi32, #tpu.memory_space<hbm>> -> memref<1x3x2x112xi32, #tpu.memory_space<hbm>>
        %dma_start3A_171 = tpu.memref_squeeze %dma_start3A_170 : memref<1x3x2x112xi32, #tpu.memory_space<hbm>> -> memref<3x2x112xi32, #tpu.memory_space<hbm>>
        %dma_start3A_172 = arith.constant 0 : i32
        %dma_start3A_173 = arith.constant 0 : i32
        %dma_start3A_174 = arith.constant 0 : i32
        %dma_start3A_175 = tpu.memref_slice %arg6[%select_n3A_66, %dma_start3A_172, %dma_start3A_173, %dma_start3A_174] : memref<2x3x2x112xi32, #tpu.memory_space<vmem>> -> memref<1x3x2x112xi32, #tpu.memory_space<vmem>>
        %dma_start3A_176 = tpu.memref_squeeze %dma_start3A_175 : memref<1x3x2x112xi32, #tpu.memory_space<vmem>> -> memref<3x2x112xi32, #tpu.memory_space<vmem>>
        %dma_start3A_177 = arith.constant 0 : i32
        %dma_start3A_178 = arith.constant 0 : i32
        %dma_start3A_179 = arith.constant 0 : i32
        %dma_start3A_180 = arith.constant 0 : i32
        %dma_start3A_181 = tpu.memref_slice %arg3[%add3A, %dma_start3A_177, %dma_start3A_178, %dma_start3A_179, %dma_start3A_180] : memref<32x30x3x2x112xi32, #tpu.memory_space<hbm>> -> memref<1x30x3x2x112xi32, #tpu.memory_space<hbm>>
        %dma_start3A_182 = tpu.memref_squeeze %dma_start3A_181 : memref<1x30x3x2x112xi32, #tpu.memory_space<hbm>> -> memref<30x3x2x112xi32, #tpu.memory_space<hbm>>
        %dma_start3A_183 = arith.constant 0 : i32
        %dma_start3A_184 = arith.constant 0 : i32
        %dma_start3A_185 = arith.constant 0 : i32
        %dma_start3A_186 = tpu.memref_slice %dma_start3A_182[%add3A_155, %dma_start3A_183, %dma_start3A_184, %dma_start3A_185] : memref<30x3x2x112xi32, #tpu.memory_space<hbm>> -> memref<1x3x2x112xi32, #tpu.memory_space<hbm>>
        %dma_start3A_187 = tpu.memref_squeeze %dma_start3A_186 : memref<1x3x2x112xi32, #tpu.memory_space<hbm>> -> memref<3x2x112xi32, #tpu.memory_space<hbm>>
        tpu.enqueue_dma source(%dma_start3A_187 : memref<3x2x112xi32, #tpu.memory_space<hbm>>) target(%dma_start3A_176 : memref<3x2x112xi32, #tpu.memory_space<vmem>>) target_semaphore(%arg17 : memref<!tpu.dma_semaphore, #tpu.memory_space<semaphore_mem>>)
      } else {
      }
      %dma_start3A_92 = arith.constant 2 : i32
      %dma_start3A_93 = arith.constant 0 : i32
      %dma_start3A_94 = arith.constant 0 : i32
      %dma_start3A_95 = tpu.memref_slice %arg6[%select_n3A_48, %dma_start3A_92, %dma_start3A_93, %dma_start3A_94] : memref<2x3x2x112xi32, #tpu.memory_space<vmem>> -> memref<1x1x1x112xi32, #tpu.memory_space<vmem>>
      %dma_start3A_96 = tpu.memref_squeeze %dma_start3A_95 : memref<1x1x1x112xi32, #tpu.memory_space<vmem>> -> memref<112xi32, #tpu.memory_space<vmem>>
      %dma_start3A_97 = arith.constant 0 : i32
      %dma_start3A_98 = arith.constant 0 : i32
      %dma_start3A_99 = tpu.memref_slice %arg2[%dma_start3A_97, %dma_start3A_98] : memref<10000x128xf32, #tpu.memory_space<hbm>> -> memref<10000x128xf32, #tpu.memory_space<hbm>>
      tpu.enqueue_indirect_dma source(%dma_start3A_99 : memref<10000x128xf32, #tpu.memory_space<hbm>>) target(%arg9 : memref<112x128xf32, #tpu.memory_space<vmem>>) offsets(%dma_start3A_96 : memref<112xi32, #tpu.memory_space<vmem>>) semaphore(%arg13 : memref<!tpu.dma_semaphore, #tpu.memory_space<semaphore_mem>>)
      %dma_wait3A_100 = arith.constant 1 : i32
      %dma_wait3A_101 = arith.constant 0 : i32
      %dma_wait3A_102 = arith.constant 0 : i32
      %dma_wait3A_103 = tpu.memref_slice %arg6[%select_n3A_48, %dma_wait3A_100, %dma_wait3A_101, %dma_wait3A_102] : memref<2x3x2x112xi32, #tpu.memory_space<vmem>> -> memref<1x1x1x112xi32, #tpu.memory_space<vmem>>
      %dma_wait3A_104 = tpu.memref_squeeze %dma_wait3A_103 : memref<1x1x1x112xi32, #tpu.memory_space<vmem>> -> memref<112xi32, #tpu.memory_space<vmem>>
      %dma_wait3A_105 = arith.constant 0 : i32
      %dma_wait3A_106 = arith.constant 0 : i32
      %dma_wait3A_107 = tpu.memref_slice %arg2[%dma_wait3A_105, %dma_wait3A_106] : memref<10000x128xf32, #tpu.memory_space<hbm>> -> memref<10000x128xf32, #tpu.memory_space<hbm>>
      tpu.wait_indirect_dma semaphore(%arg12 : memref<!tpu.dma_semaphore, #tpu.memory_space<semaphore_mem>>) src(%dma_wait3A_107 : memref<10000x128xf32, #tpu.memory_space<hbm>>) dst(%arg8 : memref<112x128xf32, #tpu.memory_space<vmem>>)
      %dma_start3A_108 = arith.constant 1 : i32
      %dma_start3A_109 = arith.constant 1 : i32
      %dma_start3A_110 = arith.constant 0 : i32
      %dma_start3A_111 = tpu.memref_slice %arg6[%select_n3A_48, %dma_start3A_108, %dma_start3A_109, %dma_start3A_110] : memref<2x3x2x112xi32, #tpu.memory_space<vmem>> -> memref<1x1x1x112xi32, #tpu.memory_space<vmem>>
      %dma_start3A_112 = tpu.memref_squeeze %dma_start3A_111 : memref<1x1x1x112xi32, #tpu.memory_space<vmem>> -> memref<112xi32, #tpu.memory_space<vmem>>
      %dma_start3A_113 = arith.constant 0 : i32
      %dma_start3A_114 = arith.constant 0 : i32
      %dma_start3A_115 = tpu.memref_slice %arg10[%dma_start3A_113, %dma_start3A_114] : memref<10240x128xf32, #tpu.memory_space<vmem_shared>> -> memref<10240x128xf32, #tpu.memory_space<vmem_shared>>
      tpu.enqueue_indirect_dma source(%arg8 : memref<112x128xf32, #tpu.memory_space<vmem>>) target(%dma_start3A_115 : memref<10240x128xf32, #tpu.memory_space<vmem_shared>>) offsets(%dma_start3A_112 : memref<112xi32, #tpu.memory_space<vmem>>) semaphore(%arg15 : memref<!tpu.dma_semaphore, #tpu.memory_space<semaphore_mem>>) {add = true}
      %dma_wait3A_116 = arith.constant 0 : i32
      %dma_wait3A_117 = arith.constant 1 : i32
      %dma_wait3A_118 = arith.constant 0 : i32
      %dma_wait3A_119 = tpu.memref_slice %arg6[%select_n3A_48, %dma_wait3A_116, %dma_wait3A_117, %dma_wait3A_118] : memref<2x3x2x112xi32, #tpu.memory_space<vmem>> -> memref<1x1x1x112xi32, #tpu.memory_space<vmem>>
      %dma_wait3A_120 = tpu.memref_squeeze %dma_wait3A_119 : memref<1x1x1x112xi32, #tpu.memory_space<vmem>> -> memref<112xi32, #tpu.memory_space<vmem>>
      %dma_wait3A_121 = arith.constant 0 : i32
      %dma_wait3A_122 = arith.constant 0 : i32
      %dma_wait3A_123 = tpu.memref_slice %arg10[%dma_wait3A_121, %dma_wait3A_122] : memref<10240x128xf32, #tpu.memory_space<vmem_shared>> -> memref<10240x128xf32, #tpu.memory_space<vmem_shared>>
      tpu.wait_indirect_dma semaphore(%arg14 : memref<!tpu.dma_semaphore, #tpu.memory_space<semaphore_mem>>) src(%arg7 : memref<112x128xf32, #tpu.memory_space<vmem>>) dst(%dma_wait3A_123 : memref<10240x128xf32, #tpu.memory_space<vmem_shared>>)
      %convert_element_type3A_124 = arith.extui %lt3A_70 : i1 to i32
      %cond3A_125 = arith.constant 0 : i32
      %cond3A_126 = arith.cmpi ne, %convert_element_type3A_124, %cond3A_125 : i32
      scf.if %cond3A_126 {
        %add3A_154 = arith.constant 1 : i32
        %add3A_155 = arith.addi %scan3A_39, %add3A_154 : i32
        %dma_wait3A_156 = arith.constant 0 : i32
        %dma_wait3A_157 = arith.constant 0 : i32
        %dma_wait3A_158 = arith.constant 0 : i32
        %dma_wait3A_159 = tpu.memref_slice %arg6[%select_n3A_66, %dma_wait3A_156, %dma_wait3A_157, %dma_wait3A_158] : memref<2x3x2x112xi32, #tpu.memory_space<vmem>> -> memref<1x3x2x112xi32, #tpu.memory_space<vmem>>
        %dma_wait3A_160 = tpu.memref_squeeze %dma_wait3A_159 : memref<1x3x2x112xi32, #tpu.memory_space<vmem>> -> memref<3x2x112xi32, #tpu.memory_space<vmem>>
        %dma_wait3A_161 = arith.constant 0 : i32
        %dma_wait3A_162 = arith.constant 0 : i32
        %dma_wait3A_163 = arith.constant 0 : i32
        %dma_wait3A_164 = arith.constant 0 : i32
        %dma_wait3A_165 = tpu.memref_slice %arg3[%add3A, %dma_wait3A_161, %dma_wait3A_162, %dma_wait3A_163, %dma_wait3A_164] : memref<32x30x3x2x112xi32, #tpu.memory_space<hbm>> -> memref<1x30x3x2x112xi32, #tpu.memory_space<hbm>>
        %dma_wait3A_166 = tpu.memref_squeeze %dma_wait3A_165 : memref<1x30x3x2x112xi32, #tpu.memory_space<hbm>> -> memref<30x3x2x112xi32, #tpu.memory_space<hbm>>
        %dma_wait3A_167 = arith.constant 0 : i32
        %dma_wait3A_168 = arith.constant 0 : i32
        %dma_wait3A_169 = arith.constant 0 : i32
        %dma_wait3A_170 = tpu.memref_slice %dma_wait3A_166[%add3A_155, %dma_wait3A_167, %dma_wait3A_168, %dma_wait3A_169] : memref<30x3x2x112xi32, #tpu.memory_space<hbm>> -> memref<1x3x2x112xi32, #tpu.memory_space<hbm>>
        %dma_wait3A_171 = tpu.memref_squeeze %dma_wait3A_170 : memref<1x3x2x112xi32, #tpu.memory_space<hbm>> -> memref<3x2x112xi32, #tpu.memory_space<hbm>>
        %dma_wait3A_172 = arith.constant 0 : i32
        %dma_wait3A_173 = arith.constant 0 : i32
        %dma_wait3A_174 = arith.constant 0 : i32
        %dma_wait3A_175 = tpu.memref_slice %arg6[%select_n3A_66, %dma_wait3A_172, %dma_wait3A_173, %dma_wait3A_174] : memref<2x3x2x112xi32, #tpu.memory_space<vmem>> -> memref<1x3x2x112xi32, #tpu.memory_space<vmem>>
        %dma_wait3A_176 = tpu.memref_squeeze %dma_wait3A_175 : memref<1x3x2x112xi32, #tpu.memory_space<vmem>> -> memref<3x2x112xi32, #tpu.memory_space<vmem>>
        %dma_wait3A_177 = arith.constant 0 : i32
        %dma_wait3A_178 = arith.constant 0 : i32
        %dma_wait3A_179 = arith.constant 0 : i32
        %dma_wait3A_180 = arith.constant 0 : i32
        %dma_wait3A_181 = tpu.memref_slice %arg3[%add3A, %dma_wait3A_177, %dma_wait3A_178, %dma_wait3A_179, %dma_wait3A_180] : memref<32x30x3x2x112xi32, #tpu.memory_space<hbm>> -> memref<1x30x3x2x112xi32, #tpu.memory_space<hbm>>
        %dma_wait3A_182 = tpu.memref_squeeze %dma_wait3A_181 : memref<1x30x3x2x112xi32, #tpu.memory_space<hbm>> -> memref<30x3x2x112xi32, #tpu.memory_space<hbm>>
        %dma_wait3A_183 = arith.constant 0 : i32
        %dma_wait3A_184 = arith.constant 0 : i32
        %dma_wait3A_185 = arith.constant 0 : i32
        %dma_wait3A_186 = tpu.memref_slice %dma_wait3A_182[%add3A_155, %dma_wait3A_183, %dma_wait3A_184, %dma_wait3A_185] : memref<30x3x2x112xi32, #tpu.memory_space<hbm>> -> memref<1x3x2x112xi32, #tpu.memory_space<hbm>>
        %dma_wait3A_187 = tpu.memref_squeeze %dma_wait3A_186 : memref<1x3x2x112xi32, #tpu.memory_space<hbm>> -> memref<3x2x112xi32, #tpu.memory_space<hbm>>
        tpu.wait_dma2 semaphore(%arg17 : memref<!tpu.dma_semaphore, #tpu.memory_space<semaphore_mem>>) src(%dma_wait3A_187 : memref<3x2x112xi32, #tpu.memory_space<hbm>>) dst(%dma_wait3A_176 : memref<3x2x112xi32, #tpu.memory_space<vmem>>)
        %dma_start3A_188 = arith.constant 0 : i32
        %dma_start3A_189 = arith.constant 0 : i32
        %dma_start3A_190 = arith.constant 0 : i32
        %dma_start3A_191 = tpu.memref_slice %arg6[%select_n3A_66, %dma_start3A_188, %dma_start3A_189, %dma_start3A_190] : memref<2x3x2x112xi32, #tpu.memory_space<vmem>> -> memref<1x1x1x112xi32, #tpu.memory_space<vmem>>
        %dma_start3A_192 = tpu.memref_squeeze %dma_start3A_191 : memref<1x1x1x112xi32, #tpu.memory_space<vmem>> -> memref<112xi32, #tpu.memory_space<vmem>>
        %dma_start3A_193 = arith.constant 0 : i32
        %dma_start3A_194 = arith.constant 0 : i32
        %dma_start3A_195 = tpu.memref_slice %arg2[%dma_start3A_193, %dma_start3A_194] : memref<10000x128xf32, #tpu.memory_space<hbm>> -> memref<10000x128xf32, #tpu.memory_space<hbm>>
        tpu.enqueue_indirect_dma source(%dma_start3A_195 : memref<10000x128xf32, #tpu.memory_space<hbm>>) target(%arg7 : memref<112x128xf32, #tpu.memory_space<vmem>>) offsets(%dma_start3A_192 : memref<112xi32, #tpu.memory_space<vmem>>) semaphore(%arg11 : memref<!tpu.dma_semaphore, #tpu.memory_space<semaphore_mem>>)
      } else {
      }
      %dma_wait3A_127 = arith.constant 2 : i32
      %dma_wait3A_128 = arith.constant 0 : i32
      %dma_wait3A_129 = arith.constant 0 : i32
      %dma_wait3A_130 = tpu.memref_slice %arg6[%select_n3A_48, %dma_wait3A_127, %dma_wait3A_128, %dma_wait3A_129] : memref<2x3x2x112xi32, #tpu.memory_space<vmem>> -> memref<1x1x1x112xi32, #tpu.memory_space<vmem>>
      %dma_wait3A_131 = tpu.memref_squeeze %dma_wait3A_130 : memref<1x1x1x112xi32, #tpu.memory_space<vmem>> -> memref<112xi32, #tpu.memory_space<vmem>>
      %dma_wait3A_132 = arith.constant 0 : i32
      %dma_wait3A_133 = arith.constant 0 : i32
      %dma_wait3A_134 = tpu.memref_slice %arg2[%dma_wait3A_132, %dma_wait3A_133] : memref<10000x128xf32, #tpu.memory_space<hbm>> -> memref<10000x128xf32, #tpu.memory_space<hbm>>
      tpu.wait_indirect_dma semaphore(%arg13 : memref<!tpu.dma_semaphore, #tpu.memory_space<semaphore_mem>>) src(%dma_wait3A_134 : memref<10000x128xf32, #tpu.memory_space<hbm>>) dst(%arg9 : memref<112x128xf32, #tpu.memory_space<vmem>>)
      %dma_start3A_135 = arith.constant 2 : i32
      %dma_start3A_136 = arith.constant 1 : i32
      %dma_start3A_137 = arith.constant 0 : i32
      %dma_start3A_138 = tpu.memref_slice %arg6[%select_n3A_48, %dma_start3A_135, %dma_start3A_136, %dma_start3A_137] : memref<2x3x2x112xi32, #tpu.memory_space<vmem>> -> memref<1x1x1x112xi32, #tpu.memory_space<vmem>>
      %dma_start3A_139 = tpu.memref_squeeze %dma_start3A_138 : memref<1x1x1x112xi32, #tpu.memory_space<vmem>> -> memref<112xi32, #tpu.memory_space<vmem>>
      %dma_start3A_140 = arith.constant 0 : i32
      %dma_start3A_141 = arith.constant 0 : i32
      %dma_start3A_142 = tpu.memref_slice %arg10[%dma_start3A_140, %dma_start3A_141] : memref<10240x128xf32, #tpu.memory_space<vmem_shared>> -> memref<10240x128xf32, #tpu.memory_space<vmem_shared>>
      tpu.enqueue_indirect_dma source(%arg9 : memref<112x128xf32, #tpu.memory_space<vmem>>) target(%dma_start3A_142 : memref<10240x128xf32, #tpu.memory_space<vmem_shared>>) offsets(%dma_start3A_139 : memref<112xi32, #tpu.memory_space<vmem>>) semaphore(%arg16 : memref<!tpu.dma_semaphore, #tpu.memory_space<semaphore_mem>>) {add = true}
      %dma_wait3A_143 = arith.constant 1 : i32
      %dma_wait3A_144 = arith.constant 1 : i32
      %dma_wait3A_145 = arith.constant 0 : i32
      %dma_wait3A_146 = tpu.memref_slice %arg6[%select_n3A_48, %dma_wait3A_143, %dma_wait3A_144, %dma_wait3A_145] : memref<2x3x2x112xi32, #tpu.memory_space<vmem>> -> memref<1x1x1x112xi32, #tpu.memory_space<vmem>>
      %dma_wait3A_147 = tpu.memref_squeeze %dma_wait3A_146 : memref<1x1x1x112xi32, #tpu.memory_space<vmem>> -> memref<112xi32, #tpu.memory_space<vmem>>
      %dma_wait3A_148 = arith.constant 0 : i32
      %dma_wait3A_149 = arith.constant 0 : i32
      %dma_wait3A_150 = tpu.memref_slice %arg10[%dma_wait3A_148, %dma_wait3A_149] : memref<10240x128xf32, #tpu.memory_space<vmem_shared>> -> memref<10240x128xf32, #tpu.memory_space<vmem_shared>>
      tpu.wait_indirect_dma semaphore(%arg15 : memref<!tpu.dma_semaphore, #tpu.memory_space<semaphore_mem>>) src(%arg8 : memref<112x128xf32, #tpu.memory_space<vmem>>) dst(%dma_wait3A_150 : memref<10240x128xf32, #tpu.memory_space<vmem_shared>>)
      %convert_element_type3A_151 = arith.extui %lt3A_70 : i1 to i32
      %cond3A_152 = arith.constant 0 : i32
      %cond3A_153 = arith.cmpi ne, %convert_element_type3A_151, %cond3A_152 : i32
      scf.if %cond3A_153 {
        %dma_start3A_154 = arith.constant 1 : i32
        %dma_start3A_155 = arith.constant 0 : i32
        %dma_start3A_156 = arith.constant 0 : i32
        %dma_start3A_157 = tpu.memref_slice %arg6[%select_n3A_66, %dma_start3A_154, %dma_start3A_155, %dma_start3A_156] : memref<2x3x2x112xi32, #tpu.memory_space<vmem>> -> memref<1x1x1x112xi32, #tpu.memory_space<vmem>>
        %dma_start3A_158 = tpu.memref_squeeze %dma_start3A_157 : memref<1x1x1x112xi32, #tpu.memory_space<vmem>> -> memref<112xi32, #tpu.memory_space<vmem>>
        %dma_start3A_159 = arith.constant 0 : i32
        %dma_start3A_160 = arith.constant 0 : i32
        %dma_start3A_161 = tpu.memref_slice %arg2[%dma_start3A_159, %dma_start3A_160] : memref<10000x128xf32, #tpu.memory_space<hbm>> -> memref<10000x128xf32, #tpu.memory_space<hbm>>
        tpu.enqueue_indirect_dma source(%dma_start3A_161 : memref<10000x128xf32, #tpu.memory_space<hbm>>) target(%arg8 : memref<112x128xf32, #tpu.memory_space<vmem>>) offsets(%dma_start3A_158 : memref<112xi32, #tpu.memory_space<vmem>>) semaphore(%arg12 : memref<!tpu.dma_semaphore, #tpu.memory_space<semaphore_mem>>)
      } else {
      }
    }
    %scan3A_25 = arith.constant 30 : i32
    %dma_wait3A = arith.constant 1 : i32
    %dma_wait3A_26 = arith.constant 2 : i32
    %dma_wait3A_27 = arith.constant 1 : i32
    %dma_wait3A_28 = arith.constant 0 : i32
    %dma_wait3A_29 = tpu.memref_slice %arg6[%dma_wait3A, %dma_wait3A_26, %dma_wait3A_27, %dma_wait3A_28] : memref<2x3x2x112xi32, #tpu.memory_space<vmem>> -> memref<1x1x1x112xi32, #tpu.memory_space<vmem>>
    %dma_wait3A_30 = tpu.memref_squeeze %dma_wait3A_29 : memref<1x1x1x112xi32, #tpu.memory_space<vmem>> -> memref<112xi32, #tpu.memory_space<vmem>>
    %dma_wait3A_31 = arith.constant 0 : i32
    %dma_wait3A_32 = arith.constant 0 : i32
    %dma_wait3A_33 = tpu.memref_slice %arg10[%dma_wait3A_31, %dma_wait3A_32] : memref<10240x128xf32, #tpu.memory_space<vmem_shared>> -> memref<10240x128xf32, #tpu.memory_space<vmem_shared>>
    tpu.wait_indirect_dma semaphore(%arg16 : memref<!tpu.dma_semaphore, #tpu.memory_space<semaphore_mem>>) src(%arg9 : memref<112x128xf32, #tpu.memory_space<vmem>>) dst(%dma_wait3A_33 : memref<10240x128xf32, #tpu.memory_space<vmem_shared>>)
    %barrier3A_34 = arith.constant 0 : index
    tpu.barrier barrier_id(%barrier3A_34)
    %mul3A_35 = arith.constant 640 : i32
    %mul3A_36 = arith.muli %arg1, %mul3A_35 : i32
    %mul3A_37 = arith.constant 640 : i32
    %mul3A_38 = arith.muli %arg1, %mul3A_37 : i32
    "tpu.region"() ({
      %run_scoped3A_39 = tpu.sem_alloc : memref<!tpu.dma_semaphore, #tpu.memory_space<semaphore_mem>>
      %dma_start3A_40 = arith.constant 0 : i32
      %dma_start3A_41 = tpu.memref_slice %arg5[%arg0, %mul3A_38, %dma_start3A_40] : memref<2x10240x128xf32, #tpu.memory_space<hbm>> -> memref<1x640x128xf32, #tpu.memory_space<hbm>>
      %dma_start3A_42 = tpu.memref_squeeze %dma_start3A_41 : memref<1x640x128xf32, #tpu.memory_space<hbm>> -> memref<640x128xf32, #tpu.memory_space<hbm>>
      %dma_start3A_43 = arith.constant 0 : i32
      %dma_start3A_44 = tpu.memref_slice %arg10[%mul3A_36, %dma_start3A_43] : memref<10240x128xf32, #tpu.memory_space<vmem_shared>> -> memref<640x128xf32, #tpu.memory_space<vmem_shared>>
      tpu.enqueue_dma source(%dma_start3A_44 : memref<640x128xf32, #tpu.memory_space<vmem_shared>>) target(%dma_start3A_42 : memref<640x128xf32, #tpu.memory_space<hbm>>) target_semaphore(%run_scoped3A_39 : memref<!tpu.dma_semaphore, #tpu.memory_space<semaphore_mem>>)
      %dma_wait3A_45 = arith.constant 0 : i32
      %dma_wait3A_46 = tpu.memref_slice %arg5[%arg0, %mul3A_38, %dma_wait3A_45] : memref<2x10240x128xf32, #tpu.memory_space<hbm>> -> memref<1x640x128xf32, #tpu.memory_space<hbm>>
      %dma_wait3A_47 = tpu.memref_squeeze %dma_wait3A_46 : memref<1x640x128xf32, #tpu.memory_space<hbm>> -> memref<640x128xf32, #tpu.memory_space<hbm>>
      %dma_wait3A_48 = arith.constant 0 : i32
      %dma_wait3A_49 = tpu.memref_slice %arg10[%mul3A_36, %dma_wait3A_48] : memref<10240x128xf32, #tpu.memory_space<vmem_shared>> -> memref<640x128xf32, #tpu.memory_space<vmem_shared>>
      tpu.wait_dma2 semaphore(%run_scoped3A_39 : memref<!tpu.dma_semaphore, #tpu.memory_space<semaphore_mem>>) src(%dma_wait3A_49 : memref<640x128xf32, #tpu.memory_space<vmem_shared>>) dst(%dma_wait3A_47 : memref<640x128xf32, #tpu.memory_space<hbm>>)
      tpu.yield
    }) : () -> ()
    return
  }
}

#map = affine_map<(d0, d1) -> (0, 0, 0, 0, 0)>
#map1 = affine_map<(d0, d1) -> (0, 0)>
module attributes {stable_mosaic.version = 14 : i64} {
  func.func @_sc_count(%arg0: i32, %arg1: i32, %arg2: memref<32x30x3x2x112xi32, #tpu.memory_space<hbm>>, %arg3: memref<2x10240xf32, #tpu.memory_space<hbm>>, %arg4: memref<30x3x2x112xi32, #tpu.memory_space<vmem>>, %arg5: memref<112xf32, #tpu.memory_space<vmem>>, %arg6: memref<640xf32, #tpu.memory_space<vmem>>, %arg7: memref<10240xf32, #tpu.memory_space<vmem_shared>>) attributes {dimension_semantics = [#tpu.dimension_semantics<core_parallel>, #tpu.dimension_semantics<subcore_parallel>], iteration_bounds = array<i64: 2, 16>, scalar_prefetch = 0 : i64, scratch_operands = 4 : i64, tpu.core_type = #tpu.core_type<sc_vector_subcore>, window_params = [{transform_indices = #map}, {transform_indices = #map1}]} {
    %mul3A = arith.constant 16 : i32
    %mul3A_0 = arith.muli %arg0, %mul3A : i32
    %add3A = arith.addi %mul3A_0, %arg1 : i32
    %broadcast_in_dim3A = arith.constant 1.000000e+00 : f32
    %broadcast_in_dim3A_1 = vector.broadcast %broadcast_in_dim3A : f32 to vector<16xf32>
    %swap3A = arith.constant 0 : index
    %swap3A_2 = tpu.vector_load %arg5[%swap3A] {strides = array<i32>} : memref<112xf32, #tpu.memory_space<vmem>>, vector<16xf32>,
    %swap3A_3 = vector.shape_cast %swap3A_2 : vector<16xf32> to vector<16xf32>
    %swap3A_4 = vector.shape_cast %broadcast_in_dim3A_1 : vector<16xf32> to vector<16xf32>
    tpu.vector_store %arg5[%swap3A], %swap3A_4 {strides = array<i32>} : memref<112xf32, #tpu.memory_space<vmem>>, vector<16xf32>,
    %broadcast_in_dim3A_5 = arith.constant 1.000000e+00 : f32
    %broadcast_in_dim3A_6 = vector.broadcast %broadcast_in_dim3A_5 : f32 to vector<16xf32>
    %swap3A_7 = arith.constant 16 : index
    %swap3A_8 = tpu.vector_load %arg5[%swap3A_7] {strides = array<i32>} : memref<112xf32, #tpu.memory_space<vmem>>, vector<16xf32>,
    %swap3A_9 = vector.shape_cast %swap3A_8 : vector<16xf32> to vector<16xf32>
    %swap3A_10 = vector.shape_cast %broadcast_in_dim3A_6 : vector<16xf32> to vector<16xf32>
    tpu.vector_store %arg5[%swap3A_7], %swap3A_10 {strides = array<i32>} : memref<112xf32, #tpu.memory_space<vmem>>, vector<16xf32>,
    %broadcast_in_dim3A_11 = arith.constant 1.000000e+00 : f32
    %broadcast_in_dim3A_12 = vector.broadcast %broadcast_in_dim3A_11 : f32 to vector<16xf32>
    %swap3A_13 = arith.constant 32 : index
    %swap3A_14 = tpu.vector_load %arg5[%swap3A_13] {strides = array<i32>} : memref<112xf32, #tpu.memory_space<vmem>>, vector<16xf32>,
    %swap3A_15 = vector.shape_cast %swap3A_14 : vector<16xf32> to vector<16xf32>
    %swap3A_16 = vector.shape_cast %broadcast_in_dim3A_12 : vector<16xf32> to vector<16xf32>
    tpu.vector_store %arg5[%swap3A_13], %swap3A_16 {strides = array<i32>} : memref<112xf32, #tpu.memory_space<vmem>>, vector<16xf32>,
    %broadcast_in_dim3A_17 = arith.constant 1.000000e+00 : f32
    %broadcast_in_dim3A_18 = vector.broadcast %broadcast_in_dim3A_17 : f32 to vector<16xf32>
    %swap3A_19 = arith.constant 48 : index
    %swap3A_20 = tpu.vector_load %arg5[%swap3A_19] {strides = array<i32>} : memref<112xf32, #tpu.memory_space<vmem>>, vector<16xf32>,
    %swap3A_21 = vector.shape_cast %swap3A_20 : vector<16xf32> to vector<16xf32>
    %swap3A_22 = vector.shape_cast %broadcast_in_dim3A_18 : vector<16xf32> to vector<16xf32>
    tpu.vector_store %arg5[%swap3A_19], %swap3A_22 {strides = array<i32>} : memref<112xf32, #tpu.memory_space<vmem>>, vector<16xf32>,
    %broadcast_in_dim3A_23 = arith.constant 1.000000e+00 : f32
    %broadcast_in_dim3A_24 = vector.broadcast %broadcast_in_dim3A_23 : f32 to vector<16xf32>
    %swap3A_25 = arith.constant 64 : index
    %swap3A_26 = tpu.vector_load %arg5[%swap3A_25] {strides = array<i32>} : memref<112xf32, #tpu.memory_space<vmem>>, vector<16xf32>,
    %swap3A_27 = vector.shape_cast %swap3A_26 : vector<16xf32> to vector<16xf32>
    %swap3A_28 = vector.shape_cast %broadcast_in_dim3A_24 : vector<16xf32> to vector<16xf32>
    tpu.vector_store %arg5[%swap3A_25], %swap3A_28 {strides = array<i32>} : memref<112xf32, #tpu.memory_space<vmem>>, vector<16xf32>,
    %broadcast_in_dim3A_29 = arith.constant 1.000000e+00 : f32
    %broadcast_in_dim3A_30 = vector.broadcast %broadcast_in_dim3A_29 : f32 to vector<16xf32>
    %swap3A_31 = arith.constant 80 : index
    %swap3A_32 = tpu.vector_load %arg5[%swap3A_31] {strides = array<i32>} : memref<112xf32, #tpu.memory_space<vmem>>, vector<16xf32>,
    %swap3A_33 = vector.shape_cast %swap3A_32 : vector<16xf32> to vector<16xf32>
    %swap3A_34 = vector.shape_cast %broadcast_in_dim3A_30 : vector<16xf32> to vector<16xf32>
    tpu.vector_store %arg5[%swap3A_31], %swap3A_34 {strides = array<i32>} : memref<112xf32, #tpu.memory_space<vmem>>, vector<16xf32>,
    %broadcast_in_dim3A_35 = arith.constant 1.000000e+00 : f32
    %broadcast_in_dim3A_36 = vector.broadcast %broadcast_in_dim3A_35 : f32 to vector<16xf32>
    %swap3A_37 = arith.constant 96 : index
    %swap3A_38 = tpu.vector_load %arg5[%swap3A_37] {strides = array<i32>} : memref<112xf32, #tpu.memory_space<vmem>>, vector<16xf32>,
    %swap3A_39 = vector.shape_cast %swap3A_38 : vector<16xf32> to vector<16xf32>
    %swap3A_40 = vector.shape_cast %broadcast_in_dim3A_36 : vector<16xf32> to vector<16xf32>
    tpu.vector_store %arg5[%swap3A_37], %swap3A_40 {strides = array<i32>} : memref<112xf32, #tpu.memory_space<vmem>>, vector<16xf32>,
    %broadcast_in_dim3A_41 = arith.constant 0.000000e+00 : f32
    %broadcast_in_dim3A_42 = vector.broadcast %broadcast_in_dim3A_41 : f32 to vector<16xf32>
    %swap3A_43 = arith.constant 0 : index
    %swap3A_44 = tpu.vector_load %arg6[%swap3A_43] {strides = array<i32>} : memref<640xf32, #tpu.memory_space<vmem>>, vector<16xf32>,
    %swap3A_45 = vector.shape_cast %swap3A_44 : vector<16xf32> to vector<16xf32>
    %swap3A_46 = vector.shape_cast %broadcast_in_dim3A_42 : vector<16xf32> to vector<16xf32>
    tpu.vector_store %arg6[%swap3A_43], %swap3A_46 {strides = array<i32>} : memref<640xf32, #tpu.memory_space<vmem>>, vector<16xf32>,
    %broadcast_in_dim3A_47 = arith.constant 0.000000e+00 : f32
    %broadcast_in_dim3A_48 = vector.broadcast %broadcast_in_dim3A_47 : f32 to vector<16xf32>
    %swap3A_49 = arith.constant 16 : index
    %swap3A_50 = tpu.vector_load %arg6[%swap3A_49] {strides = array<i32>} : memref<640xf32, #tpu.memory_space<vmem>>, vector<16xf32>,
    %swap3A_51 = vector.shape_cast %swap3A_50 : vector<16xf32> to vector<16xf32>
    %swap3A_52 = vector.shape_cast %broadcast_in_dim3A_48 : vector<16xf32> to vector<16xf32>
    tpu.vector_store %arg6[%swap3A_49], %swap3A_52 {strides = array<i32>} : memref<640xf32, #tpu.memory_space<vmem>>, vector<16xf32>,
    %broadcast_in_dim3A_53 = arith.constant 0.000000e+00 : f32
    %broadcast_in_dim3A_54 = vector.broadcast %broadcast_in_dim3A_53 : f32 to vector<16xf32>
    %swap3A_55 = arith.constant 32 : index
    %swap3A_56 = tpu.vector_load %arg6[%swap3A_55] {strides = array<i32>} : memref<640xf32, #tpu.memory_space<vmem>>, vector<16xf32>,
    %swap3A_57 = vector.shape_cast %swap3A_56 : vector<16xf32> to vector<16xf32>
    %swap3A_58 = vector.shape_cast %broadcast_in_dim3A_54 : vector<16xf32> to vector<16xf32>
    tpu.vector_store %arg6[%swap3A_55], %swap3A_58 {strides = array<i32>} : memref<640xf32, #tpu.memory_space<vmem>>, vector<16xf32>,
    %broadcast_in_dim3A_59 = arith.constant 0.000000e+00 : f32
    %broadcast_in_dim3A_60 = vector.broadcast %broadcast_in_dim3A_59 : f32 to vector<16xf32>
    %swap3A_61 = arith.constant 48 : index
    %swap3A_62 = tpu.vector_load %arg6[%swap3A_61] {strides = array<i32>} : memref<640xf32, #tpu.memory_space<vmem>>, vector<16xf32>,
    %swap3A_63 = vector.shape_cast %swap3A_62 : vector<16xf32> to vector<16xf32>
    %swap3A_64 = vector.shape_cast %broadcast_in_dim3A_60 : vector<16xf32> to vector<16xf32>
    tpu.vector_store %arg6[%swap3A_61], %swap3A_64 {strides = array<i32>} : memref<640xf32, #tpu.memory_space<vmem>>, vector<16xf32>,
    %broadcast_in_dim3A_65 = arith.constant 0.000000e+00 : f32
    %broadcast_in_dim3A_66 = vector.broadcast %broadcast_in_dim3A_65 : f32 to vector<16xf32>
    %swap3A_67 = arith.constant 64 : index
    %swap3A_68 = tpu.vector_load %arg6[%swap3A_67] {strides = array<i32>} : memref<640xf32, #tpu.memory_space<vmem>>, vector<16xf32>,
    %swap3A_69 = vector.shape_cast %swap3A_68 : vector<16xf32> to vector<16xf32>
    %swap3A_70 = vector.shape_cast %broadcast_in_dim3A_66 : vector<16xf32> to vector<16xf32>
    tpu.vector_store %arg6[%swap3A_67], %swap3A_70 {strides = array<i32>} : memref<640xf32, #tpu.memory_space<vmem>>, vector<16xf32>,
    %broadcast_in_dim3A_71 = arith.constant 0.000000e+00 : f32
    %broadcast_in_dim3A_72 = vector.broadcast %broadcast_in_dim3A_71 : f32 to vector<16xf32>
    %swap3A_73 = arith.constant 80 : index
    %swap3A_74 = tpu.vector_load %arg6[%swap3A_73] {strides = array<i32>} : memref<640xf32, #tpu.memory_space<vmem>>, vector<16xf32>,
    %swap3A_75 = vector.shape_cast %swap3A_74 : vector<16xf32> to vector<16xf32>
    %swap3A_76 = vector.shape_cast %broadcast_in_dim3A_72 : vector<16xf32> to vector<16xf32>
    tpu.vector_store %arg6[%swap3A_73], %swap3A_76 {strides = array<i32>} : memref<640xf32, #tpu.memory_space<vmem>>, vector<16xf32>,
    %broadcast_in_dim3A_77 = arith.constant 0.000000e+00 : f32
    %broadcast_in_dim3A_78 = vector.broadcast %broadcast_in_dim3A_77 : f32 to vector<16xf32>
    %swap3A_79 = arith.constant 96 : index
    %swap3A_80 = tpu.vector_load %arg6[%swap3A_79] {strides = array<i32>} : memref<640xf32, #tpu.memory_space<vmem>>, vector<16xf32>,
    %swap3A_81 = vector.shape_cast %swap3A_80 : vector<16xf32> to vector<16xf32>
    %swap3A_82 = vector.shape_cast %broadcast_in_dim3A_78 : vector<16xf32> to vector<16xf32>
    tpu.vector_store %arg6[%swap3A_79], %swap3A_82 {strides = array<i32>} : memref<640xf32, #tpu.memory_space<vmem>>, vector<16xf32>,
    %broadcast_in_dim3A_83 = arith.constant 0.000000e+00 : f32
    %broadcast_in_dim3A_84 = vector.broadcast %broadcast_in_dim3A_83 : f32 to vector<16xf32>
    %swap3A_85 = arith.constant 112 : index
    %swap3A_86 = tpu.vector_load %arg6[%swap3A_85] {strides = array<i32>} : memref<640xf32, #tpu.memory_space<vmem>>, vector<16xf32>,
    %swap3A_87 = vector.shape_cast %swap3A_86 : vector<16xf32> to vector<16xf32>
    %swap3A_88 = vector.shape_cast %broadcast_in_dim3A_84 : vector<16xf32> to vector<16xf32>
    tpu.vector_store %arg6[%swap3A_85], %swap3A_88 {strides = array<i32>} : memref<640xf32, #tpu.memory_space<vmem>>, vector<16xf32>,
    %broadcast_in_dim3A_89 = arith.constant 0.000000e+00 : f32
    %broadcast_in_dim3A_90 = vector.broadcast %broadcast_in_dim3A_89 : f32 to vector<16xf32>
    %swap3A_91 = arith.constant 128 : index
    %swap3A_92 = tpu.vector_load %arg6[%swap3A_91] {strides = array<i32>} : memref<640xf32, #tpu.memory_space<vmem>>, vector<16xf32>,
    %swap3A_93 = vector.shape_cast %swap3A_92 : vector<16xf32> to vector<16xf32>
    %swap3A_94 = vector.shape_cast %broadcast_in_dim3A_90 : vector<16xf32> to vector<16xf32>
    tpu.vector_store %arg6[%swap3A_91], %swap3A_94 {strides = array<i32>} : memref<640xf32, #tpu.memory_space<vmem>>, vector<16xf32>,
    %broadcast_in_dim3A_95 = arith.constant 0.000000e+00 : f32
    %broadcast_in_dim3A_96 = vector.broadcast %broadcast_in_dim3A_95 : f32 to vector<16xf32>
    %swap3A_97 = arith.constant 144 : index
    %swap3A_98 = tpu.vector_load %arg6[%swap3A_97] {strides = array<i32>} : memref<640xf32, #tpu.memory_space<vmem>>, vector<16xf32>,
    %swap3A_99 = vector.shape_cast %swap3A_98 : vector<16xf32> to vector<16xf32>
    %swap3A_100 = vector.shape_cast %broadcast_in_dim3A_96 : vector<16xf32> to vector<16xf32>
    tpu.vector_store %arg6[%swap3A_97], %swap3A_100 {strides = array<i32>} : memref<640xf32, #tpu.memory_space<vmem>>, vector<16xf32>,
    %broadcast_in_dim3A_101 = arith.constant 0.000000e+00 : f32
    %broadcast_in_dim3A_102 = vector.broadcast %broadcast_in_dim3A_101 : f32 to vector<16xf32>
    %swap3A_103 = arith.constant 160 : index
    %swap3A_104 = tpu.vector_load %arg6[%swap3A_103] {strides = array<i32>} : memref<640xf32, #tpu.memory_space<vmem>>, vector<16xf32>,
    %swap3A_105 = vector.shape_cast %swap3A_104 : vector<16xf32> to vector<16xf32>
    %swap3A_106 = vector.shape_cast %broadcast_in_dim3A_102 : vector<16xf32> to vector<16xf32>
    tpu.vector_store %arg6[%swap3A_103], %swap3A_106 {strides = array<i32>} : memref<640xf32, #tpu.memory_space<vmem>>, vector<16xf32>,
    %broadcast_in_dim3A_107 = arith.constant 0.000000e+00 : f32
    %broadcast_in_dim3A_108 = vector.broadcast %broadcast_in_dim3A_107 : f32 to vector<16xf32>
    %swap3A_109 = arith.constant 176 : index
    %swap3A_110 = tpu.vector_load %arg6[%swap3A_109] {strides = array<i32>} : memref<640xf32, #tpu.memory_space<vmem>>, vector<16xf32>,
    %swap3A_111 = vector.shape_cast %swap3A_110 : vector<16xf32> to vector<16xf32>
    %swap3A_112 = vector.shape_cast %broadcast_in_dim3A_108 : vector<16xf32> to vector<16xf32>
    tpu.vector_store %arg6[%swap3A_109], %swap3A_112 {strides = array<i32>} : memref<640xf32, #tpu.memory_space<vmem>>, vector<16xf32>,
    %broadcast_in_dim3A_113 = arith.constant 0.000000e+00 : f32
    %broadcast_in_dim3A_114 = vector.broadcast %broadcast_in_dim3A_113 : f32 to vector<16xf32>
    %swap3A_115 = arith.constant 192 : index
    %swap3A_116 = tpu.vector_load %arg6[%swap3A_115] {strides = array<i32>} : memref<640xf32, #tpu.memory_space<vmem>>, vector<16xf32>,
    %swap3A_117 = vector.shape_cast %swap3A_116 : vector<16xf32> to vector<16xf32>
    %swap3A_118 = vector.shape_cast %broadcast_in_dim3A_114 : vector<16xf32> to vector<16xf32>
    tpu.vector_store %arg6[%swap3A_115], %swap3A_118 {strides = array<i32>} : memref<640xf32, #tpu.memory_space<vmem>>, vector<16xf32>,
    %broadcast_in_dim3A_119 = arith.constant 0.000000e+00 : f32
    %broadcast_in_dim3A_120 = vector.broadcast %broadcast_in_dim3A_119 : f32 to vector<16xf32>
    %swap3A_121 = arith.constant 208 : index
    %swap3A_122 = tpu.vector_load %arg6[%swap3A_121] {strides = array<i32>} : memref<640xf32, #tpu.memory_space<vmem>>, vector<16xf32>,
    %swap3A_123 = vector.shape_cast %swap3A_122 : vector<16xf32> to vector<16xf32>
    %swap3A_124 = vector.shape_cast %broadcast_in_dim3A_120 : vector<16xf32> to vector<16xf32>
    tpu.vector_store %arg6[%swap3A_121], %swap3A_124 {strides = array<i32>} : memref<640xf32, #tpu.memory_space<vmem>>, vector<16xf32>,
    %broadcast_in_dim3A_125 = arith.constant 0.000000e+00 : f32
    %broadcast_in_dim3A_126 = vector.broadcast %broadcast_in_dim3A_125 : f32 to vector<16xf32>
    %swap3A_127 = arith.constant 224 : index
    %swap3A_128 = tpu.vector_load %arg6[%swap3A_127] {strides = array<i32>} : memref<640xf32, #tpu.memory_space<vmem>>, vector<16xf32>,
    %swap3A_129 = vector.shape_cast %swap3A_128 : vector<16xf32> to vector<16xf32>
    %swap3A_130 = vector.shape_cast %broadcast_in_dim3A_126 : vector<16xf32> to vector<16xf32>
    tpu.vector_store %arg6[%swap3A_127], %swap3A_130 {strides = array<i32>} : memref<640xf32, #tpu.memory_space<vmem>>, vector<16xf32>,
    %broadcast_in_dim3A_131 = arith.constant 0.000000e+00 : f32
    %broadcast_in_dim3A_132 = vector.broadcast %broadcast_in_dim3A_131 : f32 to vector<16xf32>
    %swap3A_133 = arith.constant 240 : index
    %swap3A_134 = tpu.vector_load %arg6[%swap3A_133] {strides = array<i32>} : memref<640xf32, #tpu.memory_space<vmem>>, vector<16xf32>,
    %swap3A_135 = vector.shape_cast %swap3A_134 : vector<16xf32> to vector<16xf32>
    %swap3A_136 = vector.shape_cast %broadcast_in_dim3A_132 : vector<16xf32> to vector<16xf32>
    tpu.vector_store %arg6[%swap3A_133], %swap3A_136 {strides = array<i32>} : memref<640xf32, #tpu.memory_space<vmem>>, vector<16xf32>,
    %broadcast_in_dim3A_137 = arith.constant 0.000000e+00 : f32
    %broadcast_in_dim3A_138 = vector.broadcast %broadcast_in_dim3A_137 : f32 to vector<16xf32>
    %swap3A_139 = arith.constant 256 : index
    %swap3A_140 = tpu.vector_load %arg6[%swap3A_139] {strides = array<i32>} : memref<640xf32, #tpu.memory_space<vmem>>, vector<16xf32>,
    %swap3A_141 = vector.shape_cast %swap3A_140 : vector<16xf32> to vector<16xf32>
    %swap3A_142 = vector.shape_cast %broadcast_in_dim3A_138 : vector<16xf32> to vector<16xf32>
    tpu.vector_store %arg6[%swap3A_139], %swap3A_142 {strides = array<i32>} : memref<640xf32, #tpu.memory_space<vmem>>, vector<16xf32>,
    %broadcast_in_dim3A_143 = arith.constant 0.000000e+00 : f32
    %broadcast_in_dim3A_144 = vector.broadcast %broadcast_in_dim3A_143 : f32 to vector<16xf32>
    %swap3A_145 = arith.constant 272 : index
    %swap3A_146 = tpu.vector_load %arg6[%swap3A_145] {strides = array<i32>} : memref<640xf32, #tpu.memory_space<vmem>>, vector<16xf32>,
    %swap3A_147 = vector.shape_cast %swap3A_146 : vector<16xf32> to vector<16xf32>
    %swap3A_148 = vector.shape_cast %broadcast_in_dim3A_144 : vector<16xf32> to vector<16xf32>
    tpu.vector_store %arg6[%swap3A_145], %swap3A_148 {strides = array<i32>} : memref<640xf32, #tpu.memory_space<vmem>>, vector<16xf32>,
    %broadcast_in_dim3A_149 = arith.constant 0.000000e+00 : f32
    %broadcast_in_dim3A_150 = vector.broadcast %broadcast_in_dim3A_149 : f32 to vector<16xf32>
    %swap3A_151 = arith.constant 288 : index
    %swap3A_152 = tpu.vector_load %arg6[%swap3A_151] {strides = array<i32>} : memref<640xf32, #tpu.memory_space<vmem>>, vector<16xf32>,
    %swap3A_153 = vector.shape_cast %swap3A_152 : vector<16xf32> to vector<16xf32>
    %swap3A_154 = vector.shape_cast %broadcast_in_dim3A_150 : vector<16xf32> to vector<16xf32>
    tpu.vector_store %arg6[%swap3A_151], %swap3A_154 {strides = array<i32>} : memref<640xf32, #tpu.memory_space<vmem>>, vector<16xf32>,
    %broadcast_in_dim3A_155 = arith.constant 0.000000e+00 : f32
    %broadcast_in_dim3A_156 = vector.broadcast %broadcast_in_dim3A_155 : f32 to vector<16xf32>
    %swap3A_157 = arith.constant 304 : index
    %swap3A_158 = tpu.vector_load %arg6[%swap3A_157] {strides = array<i32>} : memref<640xf32, #tpu.memory_space<vmem>>, vector<16xf32>,
    %swap3A_159 = vector.shape_cast %swap3A_158 : vector<16xf32> to vector<16xf32>
    %swap3A_160 = vector.shape_cast %broadcast_in_dim3A_156 : vector<16xf32> to vector<16xf32>
    tpu.vector_store %arg6[%swap3A_157], %swap3A_160 {strides = array<i32>} : memref<640xf32, #tpu.memory_space<vmem>>, vector<16xf32>,
    %broadcast_in_dim3A_161 = arith.constant 0.000000e+00 : f32
    %broadcast_in_dim3A_162 = vector.broadcast %broadcast_in_dim3A_161 : f32 to vector<16xf32>
    %swap3A_163 = arith.constant 320 : index
    %swap3A_164 = tpu.vector_load %arg6[%swap3A_163] {strides = array<i32>} : memref<640xf32, #tpu.memory_space<vmem>>, vector<16xf32>,
    %swap3A_165 = vector.shape_cast %swap3A_164 : vector<16xf32> to vector<16xf32>
    %swap3A_166 = vector.shape_cast %broadcast_in_dim3A_162 : vector<16xf32> to vector<16xf32>
    tpu.vector_store %arg6[%swap3A_163], %swap3A_166 {strides = array<i32>} : memref<640xf32, #tpu.memory_space<vmem>>, vector<16xf32>,
    %broadcast_in_dim3A_167 = arith.constant 0.000000e+00 : f32
    %broadcast_in_dim3A_168 = vector.broadcast %broadcast_in_dim3A_167 : f32 to vector<16xf32>
    %swap3A_169 = arith.constant 336 : index
    %swap3A_170 = tpu.vector_load %arg6[%swap3A_169] {strides = array<i32>} : memref<640xf32, #tpu.memory_space<vmem>>, vector<16xf32>,
    %swap3A_171 = vector.shape_cast %swap3A_170 : vector<16xf32> to vector<16xf32>
    %swap3A_172 = vector.shape_cast %broadcast_in_dim3A_168 : vector<16xf32> to vector<16xf32>
    tpu.vector_store %arg6[%swap3A_169], %swap3A_172 {strides = array<i32>} : memref<640xf32, #tpu.memory_space<vmem>>, vector<16xf32>,
    %broadcast_in_dim3A_173 = arith.constant 0.000000e+00 : f32
    %broadcast_in_dim3A_174 = vector.broadcast %broadcast_in_dim3A_173 : f32 to vector<16xf32>
    %swap3A_175 = arith.constant 352 : index
    %swap3A_176 = tpu.vector_load %arg6[%swap3A_175] {strides = array<i32>} : memref<640xf32, #tpu.memory_space<vmem>>, vector<16xf32>,
    %swap3A_177 = vector.shape_cast %swap3A_176 : vector<16xf32> to vector<16xf32>
    %swap3A_178 = vector.shape_cast %broadcast_in_dim3A_174 : vector<16xf32> to vector<16xf32>
    tpu.vector_store %arg6[%swap3A_175], %swap3A_178 {strides = array<i32>} : memref<640xf32, #tpu.memory_space<vmem>>, vector<16xf32>,
    %broadcast_in_dim3A_179 = arith.constant 0.000000e+00 : f32
    %broadcast_in_dim3A_180 = vector.broadcast %broadcast_in_dim3A_179 : f32 to vector<16xf32>
    %swap3A_181 = arith.constant 368 : index
    %swap3A_182 = tpu.vector_load %arg6[%swap3A_181] {strides = array<i32>} : memref<640xf32, #tpu.memory_space<vmem>>, vector<16xf32>,
    %swap3A_183 = vector.shape_cast %swap3A_182 : vector<16xf32> to vector<16xf32>
    %swap3A_184 = vector.shape_cast %broadcast_in_dim3A_180 : vector<16xf32> to vector<16xf32>
    tpu.vector_store %arg6[%swap3A_181], %swap3A_184 {strides = array<i32>} : memref<640xf32, #tpu.memory_space<vmem>>, vector<16xf32>,
    %broadcast_in_dim3A_185 = arith.constant 0.000000e+00 : f32
    %broadcast_in_dim3A_186 = vector.broadcast %broadcast_in_dim3A_185 : f32 to vector<16xf32>
    %swap3A_187 = arith.constant 384 : index
    %swap3A_188 = tpu.vector_load %arg6[%swap3A_187] {strides = array<i32>} : memref<640xf32, #tpu.memory_space<vmem>>, vector<16xf32>,
    %swap3A_189 = vector.shape_cast %swap3A_188 : vector<16xf32> to vector<16xf32>
    %swap3A_190 = vector.shape_cast %broadcast_in_dim3A_186 : vector<16xf32> to vector<16xf32>
    tpu.vector_store %arg6[%swap3A_187], %swap3A_190 {strides = array<i32>} : memref<640xf32, #tpu.memory_space<vmem>>, vector<16xf32>,
    %broadcast_in_dim3A_191 = arith.constant 0.000000e+00 : f32
    %broadcast_in_dim3A_192 = vector.broadcast %broadcast_in_dim3A_191 : f32 to vector<16xf32>
    %swap3A_193 = arith.constant 400 : index
    %swap3A_194 = tpu.vector_load %arg6[%swap3A_193] {strides = array<i32>} : memref<640xf32, #tpu.memory_space<vmem>>, vector<16xf32>,
    %swap3A_195 = vector.shape_cast %swap3A_194 : vector<16xf32> to vector<16xf32>
    %swap3A_196 = vector.shape_cast %broadcast_in_dim3A_192 : vector<16xf32> to vector<16xf32>
    tpu.vector_store %arg6[%swap3A_193], %swap3A_196 {strides = array<i32>} : memref<640xf32, #tpu.memory_space<vmem>>, vector<16xf32>,
    %broadcast_in_dim3A_197 = arith.constant 0.000000e+00 : f32
    %broadcast_in_dim3A_198 = vector.broadcast %broadcast_in_dim3A_197 : f32 to vector<16xf32>
    %swap3A_199 = arith.constant 416 : index
    %swap3A_200 = tpu.vector_load %arg6[%swap3A_199] {strides = array<i32>} : memref<640xf32, #tpu.memory_space<vmem>>, vector<16xf32>,
    %swap3A_201 = vector.shape_cast %swap3A_200 : vector<16xf32> to vector<16xf32>
    %swap3A_202 = vector.shape_cast %broadcast_in_dim3A_198 : vector<16xf32> to vector<16xf32>
    tpu.vector_store %arg6[%swap3A_199], %swap3A_202 {strides = array<i32>} : memref<640xf32, #tpu.memory_space<vmem>>, vector<16xf32>,
    %broadcast_in_dim3A_203 = arith.constant 0.000000e+00 : f32
    %broadcast_in_dim3A_204 = vector.broadcast %broadcast_in_dim3A_203 : f32 to vector<16xf32>
    %swap3A_205 = arith.constant 432 : index
    %swap3A_206 = tpu.vector_load %arg6[%swap3A_205] {strides = array<i32>} : memref<640xf32, #tpu.memory_space<vmem>>, vector<16xf32>,
    %swap3A_207 = vector.shape_cast %swap3A_206 : vector<16xf32> to vector<16xf32>
    %swap3A_208 = vector.shape_cast %broadcast_in_dim3A_204 : vector<16xf32> to vector<16xf32>
    tpu.vector_store %arg6[%swap3A_205], %swap3A_208 {strides = array<i32>} : memref<640xf32, #tpu.memory_space<vmem>>, vector<16xf32>,
    %broadcast_in_dim3A_209 = arith.constant 0.000000e+00 : f32
    %broadcast_in_dim3A_210 = vector.broadcast %broadcast_in_dim3A_209 : f32 to vector<16xf32>
    %swap3A_211 = arith.constant 448 : index
    %swap3A_212 = tpu.vector_load %arg6[%swap3A_211] {strides = array<i32>} : memref<640xf32, #tpu.memory_space<vmem>>, vector<16xf32>,
    %swap3A_213 = vector.shape_cast %swap3A_212 : vector<16xf32> to vector<16xf32>
    %swap3A_214 = vector.shape_cast %broadcast_in_dim3A_210 : vector<16xf32> to vector<16xf32>
    tpu.vector_store %arg6[%swap3A_211], %swap3A_214 {strides = array<i32>} : memref<640xf32, #tpu.memory_space<vmem>>, vector<16xf32>,
    %broadcast_in_dim3A_215 = arith.constant 0.000000e+00 : f32
    %broadcast_in_dim3A_216 = vector.broadcast %broadcast_in_dim3A_215 : f32 to vector<16xf32>
    %swap3A_217 = arith.constant 464 : index
    %swap3A_218 = tpu.vector_load %arg6[%swap3A_217] {strides = array<i32>} : memref<640xf32, #tpu.memory_space<vmem>>, vector<16xf32>,
    %swap3A_219 = vector.shape_cast %swap3A_218 : vector<16xf32> to vector<16xf32>
    %swap3A_220 = vector.shape_cast %broadcast_in_dim3A_216 : vector<16xf32> to vector<16xf32>
    tpu.vector_store %arg6[%swap3A_217], %swap3A_220 {strides = array<i32>} : memref<640xf32, #tpu.memory_space<vmem>>, vector<16xf32>,
    %broadcast_in_dim3A_221 = arith.constant 0.000000e+00 : f32
    %broadcast_in_dim3A_222 = vector.broadcast %broadcast_in_dim3A_221 : f32 to vector<16xf32>
    %swap3A_223 = arith.constant 480 : index
    %swap3A_224 = tpu.vector_load %arg6[%swap3A_223] {strides = array<i32>} : memref<640xf32, #tpu.memory_space<vmem>>, vector<16xf32>,
    %swap3A_225 = vector.shape_cast %swap3A_224 : vector<16xf32> to vector<16xf32>
    %swap3A_226 = vector.shape_cast %broadcast_in_dim3A_222 : vector<16xf32> to vector<16xf32>
    tpu.vector_store %arg6[%swap3A_223], %swap3A_226 {strides = array<i32>} : memref<640xf32, #tpu.memory_space<vmem>>, vector<16xf32>,
    %broadcast_in_dim3A_227 = arith.constant 0.000000e+00 : f32
    %broadcast_in_dim3A_228 = vector.broadcast %broadcast_in_dim3A_227 : f32 to vector<16xf32>
    %swap3A_229 = arith.constant 496 : index
    %swap3A_230 = tpu.vector_load %arg6[%swap3A_229] {strides = array<i32>} : memref<640xf32, #tpu.memory_space<vmem>>, vector<16xf32>,
    %swap3A_231 = vector.shape_cast %swap3A_230 : vector<16xf32> to vector<16xf32>
    %swap3A_232 = vector.shape_cast %broadcast_in_dim3A_228 : vector<16xf32> to vector<16xf32>
    tpu.vector_store %arg6[%swap3A_229], %swap3A_232 {strides = array<i32>} : memref<640xf32, #tpu.memory_space<vmem>>, vector<16xf32>,
    %broadcast_in_dim3A_233 = arith.constant 0.000000e+00 : f32
    %broadcast_in_dim3A_234 = vector.broadcast %broadcast_in_dim3A_233 : f32 to vector<16xf32>
    %swap3A_235 = arith.constant 512 : index
    %swap3A_236 = tpu.vector_load %arg6[%swap3A_235] {strides = array<i32>} : memref<640xf32, #tpu.memory_space<vmem>>, vector<16xf32>,
    %swap3A_237 = vector.shape_cast %swap3A_236 : vector<16xf32> to vector<16xf32>
    %swap3A_238 = vector.shape_cast %broadcast_in_dim3A_234 : vector<16xf32> to vector<16xf32>
    tpu.vector_store %arg6[%swap3A_235], %swap3A_238 {strides = array<i32>} : memref<640xf32, #tpu.memory_space<vmem>>, vector<16xf32>,
    %broadcast_in_dim3A_239 = arith.constant 0.000000e+00 : f32
    %broadcast_in_dim3A_240 = vector.broadcast %broadcast_in_dim3A_239 : f32 to vector<16xf32>
    %swap3A_241 = arith.constant 528 : index
    %swap3A_242 = tpu.vector_load %arg6[%swap3A_241] {strides = array<i32>} : memref<640xf32, #tpu.memory_space<vmem>>, vector<16xf32>,
    %swap3A_243 = vector.shape_cast %swap3A_242 : vector<16xf32> to vector<16xf32>
    %swap3A_244 = vector.shape_cast %broadcast_in_dim3A_240 : vector<16xf32> to vector<16xf32>
    tpu.vector_store %arg6[%swap3A_241], %swap3A_244 {strides = array<i32>} : memref<640xf32, #tpu.memory_space<vmem>>, vector<16xf32>,
    %broadcast_in_dim3A_245 = arith.constant 0.000000e+00 : f32
    %broadcast_in_dim3A_246 = vector.broadcast %broadcast_in_dim3A_245 : f32 to vector<16xf32>
    %swap3A_247 = arith.constant 544 : index
    %swap3A_248 = tpu.vector_load %arg6[%swap3A_247] {strides = array<i32>} : memref<640xf32, #tpu.memory_space<vmem>>, vector<16xf32>,
    %swap3A_249 = vector.shape_cast %swap3A_248 : vector<16xf32> to vector<16xf32>
    %swap3A_250 = vector.shape_cast %broadcast_in_dim3A_246 : vector<16xf32> to vector<16xf32>
    tpu.vector_store %arg6[%swap3A_247], %swap3A_250 {strides = array<i32>} : memref<640xf32, #tpu.memory_space<vmem>>, vector<16xf32>,
    %broadcast_in_dim3A_251 = arith.constant 0.000000e+00 : f32
    %broadcast_in_dim3A_252 = vector.broadcast %broadcast_in_dim3A_251 : f32 to vector<16xf32>
    %swap3A_253 = arith.constant 560 : index
    %swap3A_254 = tpu.vector_load %arg6[%swap3A_253] {strides = array<i32>} : memref<640xf32, #tpu.memory_space<vmem>>, vector<16xf32>,
    %swap3A_255 = vector.shape_cast %swap3A_254 : vector<16xf32> to vector<16xf32>
    %swap3A_256 = vector.shape_cast %broadcast_in_dim3A_252 : vector<16xf32> to vector<16xf32>
    tpu.vector_store %arg6[%swap3A_253], %swap3A_256 {strides = array<i32>} : memref<640xf32, #tpu.memory_space<vmem>>, vector<16xf32>,
    %broadcast_in_dim3A_257 = arith.constant 0.000000e+00 : f32
    %broadcast_in_dim3A_258 = vector.broadcast %broadcast_in_dim3A_257 : f32 to vector<16xf32>
    %swap3A_259 = arith.constant 576 : index
    %swap3A_260 = tpu.vector_load %arg6[%swap3A_259] {strides = array<i32>} : memref<640xf32, #tpu.memory_space<vmem>>, vector<16xf32>,
    %swap3A_261 = vector.shape_cast %swap3A_260 : vector<16xf32> to vector<16xf32>
    %swap3A_262 = vector.shape_cast %broadcast_in_dim3A_258 : vector<16xf32> to vector<16xf32>
    tpu.vector_store %arg6[%swap3A_259], %swap3A_262 {strides = array<i32>} : memref<640xf32, #tpu.memory_space<vmem>>, vector<16xf32>,
    %broadcast_in_dim3A_263 = arith.constant 0.000000e+00 : f32
    %broadcast_in_dim3A_264 = vector.broadcast %broadcast_in_dim3A_263 : f32 to vector<16xf32>
    %swap3A_265 = arith.constant 592 : index
    %swap3A_266 = tpu.vector_load %arg6[%swap3A_265] {strides = array<i32>} : memref<640xf32, #tpu.memory_space<vmem>>, vector<16xf32>,
    %swap3A_267 = vector.shape_cast %swap3A_266 : vector<16xf32> to vector<16xf32>
    %swap3A_268 = vector.shape_cast %broadcast_in_dim3A_264 : vector<16xf32> to vector<16xf32>
    tpu.vector_store %arg6[%swap3A_265], %swap3A_268 {strides = array<i32>} : memref<640xf32, #tpu.memory_space<vmem>>, vector<16xf32>,
    %broadcast_in_dim3A_269 = arith.constant 0.000000e+00 : f32
    %broadcast_in_dim3A_270 = vector.broadcast %broadcast_in_dim3A_269 : f32 to vector<16xf32>
    %swap3A_271 = arith.constant 608 : index
    %swap3A_272 = tpu.vector_load %arg6[%swap3A_271] {strides = array<i32>} : memref<640xf32, #tpu.memory_space<vmem>>, vector<16xf32>,
    %swap3A_273 = vector.shape_cast %swap3A_272 : vector<16xf32> to vector<16xf32>
    %swap3A_274 = vector.shape_cast %broadcast_in_dim3A_270 : vector<16xf32> to vector<16xf32>
    tpu.vector_store %arg6[%swap3A_271], %swap3A_274 {strides = array<i32>} : memref<640xf32, #tpu.memory_space<vmem>>, vector<16xf32>,
    %broadcast_in_dim3A_275 = arith.constant 0.000000e+00 : f32
    %broadcast_in_dim3A_276 = vector.broadcast %broadcast_in_dim3A_275 : f32 to vector<16xf32>
    %swap3A_277 = arith.constant 624 : index
    %swap3A_278 = tpu.vector_load %arg6[%swap3A_277] {strides = array<i32>} : memref<640xf32, #tpu.memory_space<vmem>>, vector<16xf32>,
    %swap3A_279 = vector.shape_cast %swap3A_278 : vector<16xf32> to vector<16xf32>
    %swap3A_280 = vector.shape_cast %broadcast_in_dim3A_276 : vector<16xf32> to vector<16xf32>
    tpu.vector_store %arg6[%swap3A_277], %swap3A_280 {strides = array<i32>} : memref<640xf32, #tpu.memory_space<vmem>>, vector<16xf32>,
    %mul3A_281 = arith.constant 640 : i32
    %mul3A_282 = arith.muli %arg1, %mul3A_281 : i32
    "tpu.region"() ({
      %run_scoped3A = tpu.sem_alloc : memref<!tpu.dma_semaphore, #tpu.memory_space<semaphore_mem>>
      %dma_start3A = tpu.memref_slice %arg7[%mul3A_282] : memref<10240xf32, #tpu.memory_space<vmem_shared>> -> memref<640xf32, #tpu.memory_space<vmem_shared>>
      %dma_start3A_293 = tpu.memref_slice %arg7[%mul3A_282] : memref<10240xf32, #tpu.memory_space<vmem_shared>> -> memref<640xf32, #tpu.memory_space<vmem_shared>>
      tpu.enqueue_dma source(%arg6 : memref<640xf32, #tpu.memory_space<vmem>>) target(%dma_start3A_293 : memref<640xf32, #tpu.memory_space<vmem_shared>>) target_semaphore(%run_scoped3A : memref<!tpu.dma_semaphore, #tpu.memory_space<semaphore_mem>>)
      %dma_wait3A = tpu.memref_slice %arg7[%mul3A_282] : memref<10240xf32, #tpu.memory_space<vmem_shared>> -> memref<640xf32, #tpu.memory_space<vmem_shared>>
      %dma_wait3A_294 = tpu.memref_slice %arg7[%mul3A_282] : memref<10240xf32, #tpu.memory_space<vmem_shared>> -> memref<640xf32, #tpu.memory_space<vmem_shared>>
      tpu.wait_dma2 semaphore(%run_scoped3A : memref<!tpu.dma_semaphore, #tpu.memory_space<semaphore_mem>>) src(%arg6 : memref<640xf32, #tpu.memory_space<vmem>>) dst(%dma_wait3A_294 : memref<640xf32, #tpu.memory_space<vmem_shared>>)
      tpu.yield
    }) : () -> ()
    "tpu.region"() ({
      %run_scoped3A = tpu.sem_alloc : memref<!tpu.dma_semaphore, #tpu.memory_space<semaphore_mem>>
      %dma_start3A = arith.constant 0 : i32
      %dma_start3A_293 = arith.constant 0 : i32
      %dma_start3A_294 = arith.constant 0 : i32
      %dma_start3A_295 = arith.constant 0 : i32
      %dma_start3A_296 = tpu.memref_slice %arg2[%add3A, %dma_start3A, %dma_start3A_293, %dma_start3A_294, %dma_start3A_295] : memref<32x30x3x2x112xi32, #tpu.memory_space<hbm>> -> memref<1x30x3x2x112xi32, #tpu.memory_space<hbm>>
      %dma_start3A_297 = tpu.memref_squeeze %dma_start3A_296 : memref<1x30x3x2x112xi32, #tpu.memory_space<hbm>> -> memref<30x3x2x112xi32, #tpu.memory_space<hbm>>
      %dma_start3A_298 = arith.constant 0 : i32
      %dma_start3A_299 = arith.constant 0 : i32
      %dma_start3A_300 = arith.constant 0 : i32
      %dma_start3A_301 = arith.constant 0 : i32
      %dma_start3A_302 = tpu.memref_slice %arg2[%add3A, %dma_start3A_298, %dma_start3A_299, %dma_start3A_300, %dma_start3A_301] : memref<32x30x3x2x112xi32, #tpu.memory_space<hbm>> -> memref<1x30x3x2x112xi32, #tpu.memory_space<hbm>>
      %dma_start3A_303 = tpu.memref_squeeze %dma_start3A_302 : memref<1x30x3x2x112xi32, #tpu.memory_space<hbm>> -> memref<30x3x2x112xi32, #tpu.memory_space<hbm>>
      tpu.enqueue_dma source(%dma_start3A_303 : memref<30x3x2x112xi32, #tpu.memory_space<hbm>>) target(%arg4 : memref<30x3x2x112xi32, #tpu.memory_space<vmem>>) target_semaphore(%run_scoped3A : memref<!tpu.dma_semaphore, #tpu.memory_space<semaphore_mem>>)
      %dma_wait3A = arith.constant 0 : i32
      %dma_wait3A_304 = arith.constant 0 : i32
      %dma_wait3A_305 = arith.constant 0 : i32
      %dma_wait3A_306 = arith.constant 0 : i32
      %dma_wait3A_307 = tpu.memref_slice %arg2[%add3A, %dma_wait3A, %dma_wait3A_304, %dma_wait3A_305, %dma_wait3A_306] : memref<32x30x3x2x112xi32, #tpu.memory_space<hbm>> -> memref<1x30x3x2x112xi32, #tpu.memory_space<hbm>>
      %dma_wait3A_308 = tpu.memref_squeeze %dma_wait3A_307 : memref<1x30x3x2x112xi32, #tpu.memory_space<hbm>> -> memref<30x3x2x112xi32, #tpu.memory_space<hbm>>
      %dma_wait3A_309 = arith.constant 0 : i32
      %dma_wait3A_310 = arith.constant 0 : i32
      %dma_wait3A_311 = arith.constant 0 : i32
      %dma_wait3A_312 = arith.constant 0 : i32
      %dma_wait3A_313 = tpu.memref_slice %arg2[%add3A, %dma_wait3A_309, %dma_wait3A_310, %dma_wait3A_311, %dma_wait3A_312] : memref<32x30x3x2x112xi32, #tpu.memory_space<hbm>> -> memref<1x30x3x2x112xi32, #tpu.memory_space<hbm>>
      %dma_wait3A_314 = tpu.memref_squeeze %dma_wait3A_313 : memref<1x30x3x2x112xi32, #tpu.memory_space<hbm>> -> memref<30x3x2x112xi32, #tpu.memory_space<hbm>>
      tpu.wait_dma2 semaphore(%run_scoped3A : memref<!tpu.dma_semaphore, #tpu.memory_space<semaphore_mem>>) src(%dma_wait3A_314 : memref<30x3x2x112xi32, #tpu.memory_space<hbm>>) dst(%arg4 : memref<30x3x2x112xi32, #tpu.memory_space<vmem>>)
      tpu.yield
    }) : () -> ()
    %barrier3A = arith.constant 0 : index
    tpu.barrier barrier_id(%barrier3A)
    %scan3A = arith.constant 0 : i32
    %scan3A_283 = arith.constant 0 : i32
    %scan3A_284 = arith.constant 30 : i32
    %scan3A_285 = arith.addi %scan3A_283, %scan3A_284 : i32
    %scan3A_286 = arith.constant 1 : i32
    scf.for %scan3A_293 = %scan3A_283 to %scan3A_285 step %scan3A_286  : i32 {
      %run_scoped3A = arith.constant 0 : i32
      %run_scoped3A_294 = arith.constant 1 : i32
      "tpu.region"() ({
        %run_scoped3A_299 = tpu.sem_alloc : memref<!tpu.dma_semaphore, #tpu.memory_space<semaphore_mem>>
        %dma_start3A = arith.constant 0 : i32
        %dma_start3A_300 = tpu.memref_slice %arg4[%scan3A_293, %run_scoped3A, %run_scoped3A_294, %dma_start3A] : memref<30x3x2x112xi32, #tpu.memory_space<vmem>> -> memref<1x1x1x112xi32, #tpu.memory_space<vmem>>
        %dma_start3A_301 = tpu.memref_squeeze %dma_start3A_300 : memref<1x1x1x112xi32, #tpu.memory_space<vmem>> -> memref<112xi32, #tpu.memory_space<vmem>>
        %dma_start3A_302 = arith.constant 0 : i32
        %dma_start3A_303 = tpu.memref_slice %arg7[%dma_start3A_302] : memref<10240xf32, #tpu.memory_space<vmem_shared>> -> memref<10240xf32, #tpu.memory_space<vmem_shared>>
        tpu.enqueue_indirect_dma source(%arg5 : memref<112xf32, #tpu.memory_space<vmem>>) target(%dma_start3A_303 : memref<10240xf32, #tpu.memory_space<vmem_shared>>) offsets(%dma_start3A_301 : memref<112xi32, #tpu.memory_space<vmem>>) semaphore(%run_scoped3A_299 : memref<!tpu.dma_semaphore, #tpu.memory_space<semaphore_mem>>) {add = true}
        %dma_wait3A = arith.constant 0 : i32
        %dma_wait3A_304 = tpu.memref_slice %arg4[%scan3A_293, %run_scoped3A, %run_scoped3A_294, %dma_wait3A] : memref<30x3x2x112xi32, #tpu.memory_space<vmem>> -> memref<1x1x1x112xi32, #tpu.memory_space<vmem>>
        %dma_wait3A_305 = tpu.memref_squeeze %dma_wait3A_304 : memref<1x1x1x112xi32, #tpu.memory_space<vmem>> -> memref<112xi32, #tpu.memory_space<vmem>>
        %dma_wait3A_306 = arith.constant 0 : i32
        %dma_wait3A_307 = tpu.memref_slice %arg7[%dma_wait3A_306] : memref<10240xf32, #tpu.memory_space<vmem_shared>> -> memref<10240xf32, #tpu.memory_space<vmem_shared>>
        tpu.wait_indirect_dma semaphore(%run_scoped3A_299 : memref<!tpu.dma_semaphore, #tpu.memory_space<semaphore_mem>>) src(%arg5 : memref<112xf32, #tpu.memory_space<vmem>>) dst(%dma_wait3A_307 : memref<10240xf32, #tpu.memory_space<vmem_shared>>)
        tpu.yield
      }) : () -> ()
      %run_scoped3A_295 = arith.constant 1 : i32
      %run_scoped3A_296 = arith.constant 1 : i32
      "tpu.region"() ({
        %run_scoped3A_299 = tpu.sem_alloc : memref<!tpu.dma_semaphore, #tpu.memory_space<semaphore_mem>>
        %dma_start3A = arith.constant 0 : i32
        %dma_start3A_300 = tpu.memref_slice %arg4[%scan3A_293, %run_scoped3A_295, %run_scoped3A_296, %dma_start3A] : memref<30x3x2x112xi32, #tpu.memory_space<vmem>> -> memref<1x1x1x112xi32, #tpu.memory_space<vmem>>
        %dma_start3A_301 = tpu.memref_squeeze %dma_start3A_300 : memref<1x1x1x112xi32, #tpu.memory_space<vmem>> -> memref<112xi32, #tpu.memory_space<vmem>>
        %dma_start3A_302 = arith.constant 0 : i32
        %dma_start3A_303 = tpu.memref_slice %arg7[%dma_start3A_302] : memref<10240xf32, #tpu.memory_space<vmem_shared>> -> memref<10240xf32, #tpu.memory_space<vmem_shared>>
        tpu.enqueue_indirect_dma source(%arg5 : memref<112xf32, #tpu.memory_space<vmem>>) target(%dma_start3A_303 : memref<10240xf32, #tpu.memory_space<vmem_shared>>) offsets(%dma_start3A_301 : memref<112xi32, #tpu.memory_space<vmem>>) semaphore(%run_scoped3A_299 : memref<!tpu.dma_semaphore, #tpu.memory_space<semaphore_mem>>) {add = true}
        %dma_wait3A = arith.constant 0 : i32
        %dma_wait3A_304 = tpu.memref_slice %arg4[%scan3A_293, %run_scoped3A_295, %run_scoped3A_296, %dma_wait3A] : memref<30x3x2x112xi32, #tpu.memory_space<vmem>> -> memref<1x1x1x112xi32, #tpu.memory_space<vmem>>
        %dma_wait3A_305 = tpu.memref_squeeze %dma_wait3A_304 : memref<1x1x1x112xi32, #tpu.memory_space<vmem>> -> memref<112xi32, #tpu.memory_space<vmem>>
        %dma_wait3A_306 = arith.constant 0 : i32
        %dma_wait3A_307 = tpu.memref_slice %arg7[%dma_wait3A_306] : memref<10240xf32, #tpu.memory_space<vmem_shared>> -> memref<10240xf32, #tpu.memory_space<vmem_shared>>
        tpu.wait_indirect_dma semaphore(%run_scoped3A_299 : memref<!tpu.dma_semaphore, #tpu.memory_space<semaphore_mem>>) src(%arg5 : memref<112xf32, #tpu.memory_space<vmem>>) dst(%dma_wait3A_307 : memref<10240xf32, #tpu.memory_space<vmem_shared>>)
        tpu.yield
      }) : () -> ()
      %run_scoped3A_297 = arith.constant 2 : i32
      %run_scoped3A_298 = arith.constant 1 : i32
      "tpu.region"() ({
        %run_scoped3A_299 = tpu.sem_alloc : memref<!tpu.dma_semaphore, #tpu.memory_space<semaphore_mem>>
        %dma_start3A = arith.constant 0 : i32
        %dma_start3A_300 = tpu.memref_slice %arg4[%scan3A_293, %run_scoped3A_297, %run_scoped3A_298, %dma_start3A] : memref<30x3x2x112xi32, #tpu.memory_space<vmem>> -> memref<1x1x1x112xi32, #tpu.memory_space<vmem>>
        %dma_start3A_301 = tpu.memref_squeeze %dma_start3A_300 : memref<1x1x1x112xi32, #tpu.memory_space<vmem>> -> memref<112xi32, #tpu.memory_space<vmem>>
        %dma_start3A_302 = arith.constant 0 : i32
        %dma_start3A_303 = tpu.memref_slice %arg7[%dma_start3A_302] : memref<10240xf32, #tpu.memory_space<vmem_shared>> -> memref<10240xf32, #tpu.memory_space<vmem_shared>>
        tpu.enqueue_indirect_dma source(%arg5 : memref<112xf32, #tpu.memory_space<vmem>>) target(%dma_start3A_303 : memref<10240xf32, #tpu.memory_space<vmem_shared>>) offsets(%dma_start3A_301 : memref<112xi32, #tpu.memory_space<vmem>>) semaphore(%run_scoped3A_299 : memref<!tpu.dma_semaphore, #tpu.memory_space<semaphore_mem>>) {add = true}
        %dma_wait3A = arith.constant 0 : i32
        %dma_wait3A_304 = tpu.memref_slice %arg4[%scan3A_293, %run_scoped3A_297, %run_scoped3A_298, %dma_wait3A] : memref<30x3x2x112xi32, #tpu.memory_space<vmem>> -> memref<1x1x1x112xi32, #tpu.memory_space<vmem>>
        %dma_wait3A_305 = tpu.memref_squeeze %dma_wait3A_304 : memref<1x1x1x112xi32, #tpu.memory_space<vmem>> -> memref<112xi32, #tpu.memory_space<vmem>>
        %dma_wait3A_306 = arith.constant 0 : i32
        %dma_wait3A_307 = tpu.memref_slice %arg7[%dma_wait3A_306] : memref<10240xf32, #tpu.memory_space<vmem_shared>> -> memref<10240xf32, #tpu.memory_space<vmem_shared>>
        tpu.wait_indirect_dma semaphore(%run_scoped3A_299 : memref<!tpu.dma_semaphore, #tpu.memory_space<semaphore_mem>>) src(%arg5 : memref<112xf32, #tpu.memory_space<vmem>>) dst(%dma_wait3A_307 : memref<10240xf32, #tpu.memory_space<vmem_shared>>)
        tpu.yield
      }) : () -> ()
    }
    %scan3A_287 = arith.constant 30 : i32
    %barrier3A_288 = arith.constant 0 : index
    tpu.barrier barrier_id(%barrier3A_288)
    %mul3A_289 = arith.constant 640 : i32
    %mul3A_290 = arith.muli %arg1, %mul3A_289 : i32
    %mul3A_291 = arith.constant 640 : i32
    %mul3A_292 = arith.muli %arg1, %mul3A_291 : i32
    "tpu.region"() ({
      %run_scoped3A = tpu.sem_alloc : memref<!tpu.dma_semaphore, #tpu.memory_space<semaphore_mem>>
      %dma_start3A = tpu.memref_slice %arg3[%arg0, %mul3A_292] : memref<2x10240xf32, #tpu.memory_space<hbm>> -> memref<1x640xf32, #tpu.memory_space<hbm>>
      %dma_start3A_293 = tpu.memref_squeeze %dma_start3A : memref<1x640xf32, #tpu.memory_space<hbm>> -> memref<640xf32, #tpu.memory_space<hbm>>
      %dma_start3A_294 = tpu.memref_slice %arg7[%mul3A_290] : memref<10240xf32, #tpu.memory_space<vmem_shared>> -> memref<640xf32, #tpu.memory_space<vmem_shared>>
      tpu.enqueue_dma source(%dma_start3A_294 : memref<640xf32, #tpu.memory_space<vmem_shared>>) target(%dma_start3A_293 : memref<640xf32, #tpu.memory_space<hbm>>) target_semaphore(%run_scoped3A : memref<!tpu.dma_semaphore, #tpu.memory_space<semaphore_mem>>)
      %dma_wait3A = tpu.memref_slice %arg3[%arg0, %mul3A_292] : memref<2x10240xf32, #tpu.memory_space<hbm>> -> memref<1x640xf32, #tpu.memory_space<hbm>>
      %dma_wait3A_295 = tpu.memref_squeeze %dma_wait3A : memref<1x640xf32, #tpu.memory_space<hbm>> -> memref<640xf32, #tpu.memory_space<hbm>>
      %dma_wait3A_296 = tpu.memref_slice %arg7[%mul3A_290] : memref<10240xf32, #tpu.memory_space<vmem_shared>> -> memref<640xf32, #tpu.memory_space<vmem_shared>>
      tpu.wait_dma2 semaphore(%run_scoped3A : memref<!tpu.dma_semaphore, #tpu.memory_space<semaphore_mem>>) src(%dma_wait3A_296 : memref<640xf32, #tpu.memory_space<vmem_shared>>) dst(%dma_wait3A_295 : memref<640xf32, #tpu.memory_space<hbm>>)
      tpu.yield
    }) : () -> ()
    return
  }
}

#map = affine_map<(d0, d1) -> (0, 0)>
#map1 = affine_map<(d0, d1) -> (0, 0, 0, 0, 0)>
#map2 = affine_map<(d0, d1) -> (0, 0, 0)>
module attributes {stable_mosaic.version = 14 : i64} {
  func.func @_sc_scatter(%arg0: i32, %arg1: i32, %arg2: memref<10000x128xf32, #tpu.memory_space<hbm>>, %arg3: memref<32x30x3x2x112xi32, #tpu.memory_space<hbm>>, %arg4: memref<640x128xf32, #tpu.memory_space<hbm>>, %arg5: memref<2x10240x128xf32, #tpu.memory_space<hbm>>, %arg6: memref<2x3x2x112xi32, #tpu.memory_space<vmem>>, %arg7: memref<112x128xf32, #tpu.memory_space<vmem>>, %arg8: memref<112x128xf32, #tpu.memory_space<vmem>>, %arg9: memref<112x128xf32, #tpu.memory_space<vmem>>, %arg10: memref<10240x128xf32, #tpu.memory_space<vmem_shared>>, %arg11: memref<!tpu.dma_semaphore, #tpu.memory_space<semaphore_mem>>, %arg12: memref<!tpu.dma_semaphore, #tpu.memory_space<semaphore_mem>>, %arg13: memref<!tpu.dma_semaphore, #tpu.memory_space<semaphore_mem>>, %arg14: memref<!tpu.dma_semaphore, #tpu.memory_space<semaphore_mem>>, %arg15: memref<!tpu.dma_semaphore, #tpu.memory_space<semaphore_mem>>, %arg16: memref<!tpu.dma_semaphore, #tpu.memory_space<semaphore_mem>>, %arg17: memref<!tpu.dma_semaphore, #tpu.memory_space<semaphore_mem>>) attributes {dimension_semantics = [#tpu.dimension_semantics<core_parallel>, #tpu.dimension_semantics<subcore_parallel>], iteration_bounds = array<i64: 2, 16>, scalar_prefetch = 0 : i64, scratch_operands = 12 : i64, tpu.core_type = #tpu.core_type<sc_vector_subcore>, window_params = [{transform_indices = #map}, {transform_indices = #map1}, {transform_indices = #map}, {transform_indices = #map2}]} {
    %mul3A = arith.constant 16 : i32
    %mul3A_0 = arith.muli %arg0, %mul3A : i32
    %add3A = arith.addi %mul3A_0, %arg1 : i32
    %mul3A_1 = arith.constant 640 : i32
    %mul3A_2 = arith.muli %arg1, %mul3A_1 : i32
    "tpu.region"() ({
      %run_scoped3A_39 = tpu.sem_alloc : memref<!tpu.dma_semaphore, #tpu.memory_space<semaphore_mem>>
      %dma_start3A_40 = arith.constant 0 : i32
      %dma_start3A_41 = tpu.memref_slice %arg10[%mul3A_2, %dma_start3A_40] : memref<10240x128xf32, #tpu.memory_space<vmem_shared>> -> memref<640x128xf32, #tpu.memory_space<vmem_shared>>
      tpu.enqueue_dma source(%arg4 : memref<640x128xf32, #tpu.memory_space<hbm>>) target(%dma_start3A_41 : memref<640x128xf32, #tpu.memory_space<vmem_shared>>) target_semaphore(%run_scoped3A_39 : memref<!tpu.dma_semaphore, #tpu.memory_space<semaphore_mem>>)
      %dma_wait3A_42 = arith.constant 0 : i32
      %dma_wait3A_43 = tpu.memref_slice %arg10[%mul3A_2, %dma_wait3A_42] : memref<10240x128xf32, #tpu.memory_space<vmem_shared>> -> memref<640x128xf32, #tpu.memory_space<vmem_shared>>
      tpu.wait_dma2 semaphore(%run_scoped3A_39 : memref<!tpu.dma_semaphore, #tpu.memory_space<semaphore_mem>>) src(%arg4 : memref<640x128xf32, #tpu.memory_space<hbm>>) dst(%dma_wait3A_43 : memref<640x128xf32, #tpu.memory_space<vmem_shared>>)
      tpu.yield
    }) : () -> ()
    %run_scoped3A = arith.constant 0 : i32
    %run_scoped3A_3 = arith.constant 0 : i32
    "tpu.region"() ({
      %run_scoped3A_39 = tpu.sem_alloc : memref<!tpu.dma_semaphore, #tpu.memory_space<semaphore_mem>>
      %dma_start3A_40 = arith.constant 0 : i32
      %dma_start3A_41 = arith.constant 0 : i32
      %dma_start3A_42 = arith.constant 0 : i32
      %dma_start3A_43 = tpu.memref_slice %arg6[%run_scoped3A_3, %dma_start3A_40, %dma_start3A_41, %dma_start3A_42] : memref<2x3x2x112xi32, #tpu.memory_space<vmem>> -> memref<1x3x2x112xi32, #tpu.memory_space<vmem>>
      %dma_start3A_44 = tpu.memref_squeeze %dma_start3A_43 : memref<1x3x2x112xi32, #tpu.memory_space<vmem>> -> memref<3x2x112xi32, #tpu.memory_space<vmem>>
      %dma_start3A_45 = arith.constant 0 : i32
      %dma_start3A_46 = arith.constant 0 : i32
      %dma_start3A_47 = arith.constant 0 : i32
      %dma_start3A_48 = arith.constant 0 : i32
      %dma_start3A_49 = tpu.memref_slice %arg3[%add3A, %dma_start3A_45, %dma_start3A_46, %dma_start3A_47, %dma_start3A_48] : memref<32x30x3x2x112xi32, #tpu.memory_space<hbm>> -> memref<1x30x3x2x112xi32, #tpu.memory_space<hbm>>
      %dma_start3A_50 = tpu.memref_squeeze %dma_start3A_49 : memref<1x30x3x2x112xi32, #tpu.memory_space<hbm>> -> memref<30x3x2x112xi32, #tpu.memory_space<hbm>>
      %dma_start3A_51 = arith.constant 0 : i32
      %dma_start3A_52 = arith.constant 0 : i32
      %dma_start3A_53 = arith.constant 0 : i32
      %dma_start3A_54 = tpu.memref_slice %dma_start3A_50[%run_scoped3A, %dma_start3A_51, %dma_start3A_52, %dma_start3A_53] : memref<30x3x2x112xi32, #tpu.memory_space<hbm>> -> memref<1x3x2x112xi32, #tpu.memory_space<hbm>>
      %dma_start3A_55 = tpu.memref_squeeze %dma_start3A_54 : memref<1x3x2x112xi32, #tpu.memory_space<hbm>> -> memref<3x2x112xi32, #tpu.memory_space<hbm>>
      %dma_start3A_56 = arith.constant 0 : i32
      %dma_start3A_57 = arith.constant 0 : i32
      %dma_start3A_58 = arith.constant 0 : i32
      %dma_start3A_59 = tpu.memref_slice %arg6[%run_scoped3A_3, %dma_start3A_56, %dma_start3A_57, %dma_start3A_58] : memref<2x3x2x112xi32, #tpu.memory_space<vmem>> -> memref<1x3x2x112xi32, #tpu.memory_space<vmem>>
      %dma_start3A_60 = tpu.memref_squeeze %dma_start3A_59 : memref<1x3x2x112xi32, #tpu.memory_space<vmem>> -> memref<3x2x112xi32, #tpu.memory_space<vmem>>
      %dma_start3A_61 = arith.constant 0 : i32
      %dma_start3A_62 = arith.constant 0 : i32
      %dma_start3A_63 = arith.constant 0 : i32
      %dma_start3A_64 = arith.constant 0 : i32
      %dma_start3A_65 = tpu.memref_slice %arg3[%add3A, %dma_start3A_61, %dma_start3A_62, %dma_start3A_63, %dma_start3A_64] : memref<32x30x3x2x112xi32, #tpu.memory_space<hbm>> -> memref<1x30x3x2x112xi32, #tpu.memory_space<hbm>>
      %dma_start3A_66 = tpu.memref_squeeze %dma_start3A_65 : memref<1x30x3x2x112xi32, #tpu.memory_space<hbm>> -> memref<30x3x2x112xi32, #tpu.memory_space<hbm>>
      %dma_start3A_67 = arith.constant 0 : i32
      %dma_start3A_68 = arith.constant 0 : i32
      %dma_start3A_69 = arith.constant 0 : i32
      %dma_start3A_70 = tpu.memref_slice %dma_start3A_66[%run_scoped3A, %dma_start3A_67, %dma_start3A_68, %dma_start3A_69] : memref<30x3x2x112xi32, #tpu.memory_space<hbm>> -> memref<1x3x2x112xi32, #tpu.memory_space<hbm>>
      %dma_start3A_71 = tpu.memref_squeeze %dma_start3A_70 : memref<1x3x2x112xi32, #tpu.memory_space<hbm>> -> memref<3x2x112xi32, #tpu.memory_space<hbm>>
      tpu.enqueue_dma source(%dma_start3A_71 : memref<3x2x112xi32, #tpu.memory_space<hbm>>) target(%dma_start3A_60 : memref<3x2x112xi32, #tpu.memory_space<vmem>>) target_semaphore(%run_scoped3A_39 : memref<!tpu.dma_semaphore, #tpu.memory_space<semaphore_mem>>)
      %dma_wait3A_72 = arith.constant 0 : i32
      %dma_wait3A_73 = arith.constant 0 : i32
      %dma_wait3A_74 = arith.constant 0 : i32
      %dma_wait3A_75 = tpu.memref_slice %arg6[%run_scoped3A_3, %dma_wait3A_72, %dma_wait3A_73, %dma_wait3A_74] : memref<2x3x2x112xi32, #tpu.memory_space<vmem>> -> memref<1x3x2x112xi32, #tpu.memory_space<vmem>>
      %dma_wait3A_76 = tpu.memref_squeeze %dma_wait3A_75 : memref<1x3x2x112xi32, #tpu.memory_space<vmem>> -> memref<3x2x112xi32, #tpu.memory_space<vmem>>
      %dma_wait3A_77 = arith.constant 0 : i32
      %dma_wait3A_78 = arith.constant 0 : i32
      %dma_wait3A_79 = arith.constant 0 : i32
      %dma_wait3A_80 = arith.constant 0 : i32
      %dma_wait3A_81 = tpu.memref_slice %arg3[%add3A, %dma_wait3A_77, %dma_wait3A_78, %dma_wait3A_79, %dma_wait3A_80] : memref<32x30x3x2x112xi32, #tpu.memory_space<hbm>> -> memref<1x30x3x2x112xi32, #tpu.memory_space<hbm>>
      %dma_wait3A_82 = tpu.memref_squeeze %dma_wait3A_81 : memref<1x30x3x2x112xi32, #tpu.memory_space<hbm>> -> memref<30x3x2x112xi32, #tpu.memory_space<hbm>>
      %dma_wait3A_83 = arith.constant 0 : i32
      %dma_wait3A_84 = arith.constant 0 : i32
      %dma_wait3A_85 = arith.constant 0 : i32
      %dma_wait3A_86 = tpu.memref_slice %dma_wait3A_82[%run_scoped3A, %dma_wait3A_83, %dma_wait3A_84, %dma_wait3A_85] : memref<30x3x2x112xi32, #tpu.memory_space<hbm>> -> memref<1x3x2x112xi32, #tpu.memory_space<hbm>>
      %dma_wait3A_87 = tpu.memref_squeeze %dma_wait3A_86 : memref<1x3x2x112xi32, #tpu.memory_space<hbm>> -> memref<3x2x112xi32, #tpu.memory_space<hbm>>
      %dma_wait3A_88 = arith.constant 0 : i32
      %dma_wait3A_89 = arith.constant 0 : i32
      %dma_wait3A_90 = arith.constant 0 : i32
      %dma_wait3A_91 = tpu.memref_slice %arg6[%run_scoped3A_3, %dma_wait3A_88, %dma_wait3A_89, %dma_wait3A_90] : memref<2x3x2x112xi32, #tpu.memory_space<vmem>> -> memref<1x3x2x112xi32, #tpu.memory_space<vmem>>
      %dma_wait3A_92 = tpu.memref_squeeze %dma_wait3A_91 : memref<1x3x2x112xi32, #tpu.memory_space<vmem>> -> memref<3x2x112xi32, #tpu.memory_space<vmem>>
      %dma_wait3A_93 = arith.constant 0 : i32
      %dma_wait3A_94 = arith.constant 0 : i32
      %dma_wait3A_95 = arith.constant 0 : i32
      %dma_wait3A_96 = arith.constant 0 : i32
      %dma_wait3A_97 = tpu.memref_slice %arg3[%add3A, %dma_wait3A_93, %dma_wait3A_94, %dma_wait3A_95, %dma_wait3A_96] : memref<32x30x3x2x112xi32, #tpu.memory_space<hbm>> -> memref<1x30x3x2x112xi32, #tpu.memory_space<hbm>>
      %dma_wait3A_98 = tpu.memref_squeeze %dma_wait3A_97 : memref<1x30x3x2x112xi32, #tpu.memory_space<hbm>> -> memref<30x3x2x112xi32, #tpu.memory_space<hbm>>
      %dma_wait3A_99 = arith.constant 0 : i32
      %dma_wait3A_100 = arith.constant 0 : i32
      %dma_wait3A_101 = arith.constant 0 : i32
      %dma_wait3A_102 = tpu.memref_slice %dma_wait3A_98[%run_scoped3A, %dma_wait3A_99, %dma_wait3A_100, %dma_wait3A_101] : memref<30x3x2x112xi32, #tpu.memory_space<hbm>> -> memref<1x3x2x112xi32, #tpu.memory_space<hbm>>
      %dma_wait3A_103 = tpu.memref_squeeze %dma_wait3A_102 : memref<1x3x2x112xi32, #tpu.memory_space<hbm>> -> memref<3x2x112xi32, #tpu.memory_space<hbm>>
      tpu.wait_dma2 semaphore(%run_scoped3A_39 : memref<!tpu.dma_semaphore, #tpu.memory_space<semaphore_mem>>) src(%dma_wait3A_103 : memref<3x2x112xi32, #tpu.memory_space<hbm>>) dst(%dma_wait3A_92 : memref<3x2x112xi32, #tpu.memory_space<vmem>>)
      tpu.yield
    }) : () -> ()
    %barrier3A = arith.constant 0 : index
    tpu.barrier barrier_id(%barrier3A)
    %dma_start3A = arith.constant 0 : i32
    %dma_start3A_4 = arith.constant 0 : i32
    %dma_start3A_5 = arith.constant 0 : i32
    %dma_start3A_6 = arith.constant 0 : i32
    %dma_start3A_7 = tpu.memref_slice %arg6[%dma_start3A, %dma_start3A_4, %dma_start3A_5, %dma_start3A_6] : memref<2x3x2x112xi32, #tpu.memory_space<vmem>> -> memref<1x1x1x112xi32, #tpu.memory_space<vmem>>
    %dma_start3A_8 = tpu.memref_squeeze %dma_start3A_7 : memref<1x1x1x112xi32, #tpu.memory_space<vmem>> -> memref<112xi32, #tpu.memory_space<vmem>>
    %dma_start3A_9 = arith.constant 0 : i32
    %dma_start3A_10 = arith.constant 0 : i32
    %dma_start3A_11 = tpu.memref_slice %arg2[%dma_start3A_9, %dma_start3A_10] : memref<10000x128xf32, #tpu.memory_space<hbm>> -> memref<10000x128xf32, #tpu.memory_space<hbm>>
    tpu.enqueue_indirect_dma source(%dma_start3A_11 : memref<10000x128xf32, #tpu.memory_space<hbm>>) target(%arg7 : memref<112x128xf32, #tpu.memory_space<vmem>>) offsets(%dma_start3A_8 : memref<112xi32, #tpu.memory_space<vmem>>) semaphore(%arg11 : memref<!tpu.dma_semaphore, #tpu.memory_space<semaphore_mem>>)
    %dma_start3A_12 = arith.constant 0 : i32
    %dma_start3A_13 = arith.constant 1 : i32
    %dma_start3A_14 = arith.constant 0 : i32
    %dma_start3A_15 = arith.constant 0 : i32
    %dma_start3A_16 = tpu.memref_slice %arg6[%dma_start3A_12, %dma_start3A_13, %dma_start3A_14, %dma_start3A_15] : memref<2x3x2x112xi32, #tpu.memory_space<vmem>> -> memref<1x1x1x112xi32, #tpu.memory_space<vmem>>
    %dma_start3A_17 = tpu.memref_squeeze %dma_start3A_16 : memref<1x1x1x112xi32, #tpu.memory_space<vmem>> -> memref<112xi32, #tpu.memory_space<vmem>>
    %dma_start3A_18 = arith.constant 0 : i32
    %dma_start3A_19 = arith.constant 0 : i32
    %dma_start3A_20 = tpu.memref_slice %arg2[%dma_start3A_18, %dma_start3A_19] : memref<10000x128xf32, #tpu.memory_space<hbm>> -> memref<10000x128xf32, #tpu.memory_space<hbm>>
    tpu.enqueue_indirect_dma source(%dma_start3A_20 : memref<10000x128xf32, #tpu.memory_space<hbm>>) target(%arg8 : memref<112x128xf32, #tpu.memory_space<vmem>>) offsets(%dma_start3A_17 : memref<112xi32, #tpu.memory_space<vmem>>) semaphore(%arg12 : memref<!tpu.dma_semaphore, #tpu.memory_space<semaphore_mem>>)
    %scan3A = arith.constant 0 : i32
    %scan3A_21 = arith.constant 0 : i32
    %scan3A_22 = arith.constant 30 : i32
    %scan3A_23 = arith.addi %scan3A_21, %scan3A_22 : i32
    %scan3A_24 = arith.constant 1 : i32
    scf.for %scan3A_39 = %scan3A_21 to %scan3A_23 step %scan3A_24  : i32 {
      %jit3A = arith.constant 2 : i32
      %eq3A = arith.constant 0 : i32
      %eq3A_40 = arith.cmpi eq, %jit3A, %eq3A : i32
      %jit3A_41 = arith.constant 1 : i32
      %select_n3A = arith.select %eq3A_40, %jit3A_41, %jit3A : i32
      %rem3A = arith.remsi %scan3A_39, %select_n3A : i32
      %ne3A = arith.constant 0 : i32
      %ne3A_42 = arith.cmpi ne, %rem3A, %ne3A : i32
      %lt3A = arith.constant 0 : i32
      %lt3A_43 = arith.cmpi slt, %rem3A, %lt3A : i32
      %lt3A_44 = arith.constant 0 : i32
      %lt3A_45 = arith.cmpi slt, %select_n3A, %lt3A_44 : i32
      %ne3A_46 = arith.xori %lt3A_43, %lt3A_45 : i1
      %and3A = arith.andi %ne3A_46, %ne3A_42 : i1
      %add3A_47 = arith.addi %rem3A, %select_n3A : i32
      %select_n3A_48 = arith.select %and3A, %add3A_47, %rem3A : i32
      %add3A_49 = arith.constant 1 : i32
      %add3A_50 = arith.addi %scan3A_39, %add3A_49 : i32
      %jit3A_51 = arith.constant 2 : i32
      %eq3A_52 = arith.constant 0 : i32
      %eq3A_53 = arith.cmpi eq, %jit3A_51, %eq3A_52 : i32
      %jit3A_54 = arith.constant 1 : i32
      %select_n3A_55 = arith.select %eq3A_53, %jit3A_54, %jit3A_51 : i32
      %rem3A_56 = arith.remsi %add3A_50, %select_n3A_55 : i32
      %ne3A_57 = arith.constant 0 : i32
      %ne3A_58 = arith.cmpi ne, %rem3A_56, %ne3A_57 : i32
      %lt3A_59 = arith.constant 0 : i32
      %lt3A_60 = arith.cmpi slt, %rem3A_56, %lt3A_59 : i32
      %lt3A_61 = arith.constant 0 : i32
      %lt3A_62 = arith.cmpi slt, %select_n3A_55, %lt3A_61 : i32
      %ne3A_63 = arith.xori %lt3A_60, %lt3A_62 : i1
      %and3A_64 = arith.andi %ne3A_63, %ne3A_58 : i1
      %add3A_65 = arith.addi %rem3A_56, %select_n3A_55 : i32
      %select_n3A_66 = arith.select %and3A_64, %add3A_65, %rem3A_56 : i32
      %add3A_67 = arith.constant 1 : i32
      %add3A_68 = arith.addi %scan3A_39, %add3A_67 : i32
      %lt3A_69 = arith.constant 30 : i32
      %lt3A_70 = arith.cmpi slt, %add3A_68, %lt3A_69 : i32
      %dma_wait3A_71 = arith.constant 0 : i32
      %dma_wait3A_72 = arith.constant 0 : i32
      %dma_wait3A_73 = arith.constant 0 : i32
      %dma_wait3A_74 = tpu.memref_slice %arg6[%select_n3A_48, %dma_wait3A_71, %dma_wait3A_72, %dma_wait3A_73] : memref<2x3x2x112xi32, #tpu.memory_space<vmem>> -> memref<1x1x1x112xi32, #tpu.memory_space<vmem>>
      %dma_wait3A_75 = tpu.memref_squeeze %dma_wait3A_74 : memref<1x1x1x112xi32, #tpu.memory_space<vmem>> -> memref<112xi32, #tpu.memory_space<vmem>>
      %dma_wait3A_76 = arith.constant 0 : i32
      %dma_wait3A_77 = arith.constant 0 : i32
      %dma_wait3A_78 = tpu.memref_slice %arg2[%dma_wait3A_76, %dma_wait3A_77] : memref<10000x128xf32, #tpu.memory_space<hbm>> -> memref<10000x128xf32, #tpu.memory_space<hbm>>
      tpu.wait_indirect_dma semaphore(%arg11 : memref<!tpu.dma_semaphore, #tpu.memory_space<semaphore_mem>>) src(%dma_wait3A_78 : memref<10000x128xf32, #tpu.memory_space<hbm>>) dst(%arg7 : memref<112x128xf32, #tpu.memory_space<vmem>>)
      %dma_start3A_79 = arith.constant 0 : i32
      %dma_start3A_80 = arith.constant 1 : i32
      %dma_start3A_81 = arith.constant 0 : i32
      %dma_start3A_82 = tpu.memref_slice %arg6[%select_n3A_48, %dma_start3A_79, %dma_start3A_80, %dma_start3A_81] : memref<2x3x2x112xi32, #tpu.memory_space<vmem>> -> memref<1x1x1x112xi32, #tpu.memory_space<vmem>>
      %dma_start3A_83 = tpu.memref_squeeze %dma_start3A_82 : memref<1x1x1x112xi32, #tpu.memory_space<vmem>> -> memref<112xi32, #tpu.memory_space<vmem>>
      %dma_start3A_84 = arith.constant 0 : i32
      %dma_start3A_85 = arith.constant 0 : i32
      %dma_start3A_86 = tpu.memref_slice %arg10[%dma_start3A_84, %dma_start3A_85] : memref<10240x128xf32, #tpu.memory_space<vmem_shared>> -> memref<10240x128xf32, #tpu.memory_space<vmem_shared>>
      tpu.enqueue_indirect_dma source(%arg7 : memref<112x128xf32, #tpu.memory_space<vmem>>) target(%dma_start3A_86 : memref<10240x128xf32, #tpu.memory_space<vmem_shared>>) offsets(%dma_start3A_83 : memref<112xi32, #tpu.memory_space<vmem>>) semaphore(%arg14 : memref<!tpu.dma_semaphore, #tpu.memory_space<semaphore_mem>>) {add = true}
      %gt3A = arith.constant 0 : i32
      %gt3A_87 = arith.cmpi sgt, %scan3A_39, %gt3A : i32
      %convert_element_type3A = arith.extui %gt3A_87 : i1 to i32
      %cond3A = arith.constant 0 : i32
      %cond3A_88 = arith.cmpi ne, %convert_element_type3A, %cond3A : i32
      scf.if %cond3A_88 {
        %dma_wait3A_154 = arith.constant 2 : i32
        %dma_wait3A_155 = arith.constant 1 : i32
        %dma_wait3A_156 = arith.constant 0 : i32
        %dma_wait3A_157 = tpu.memref_slice %arg6[%select_n3A_66, %dma_wait3A_154, %dma_wait3A_155, %dma_wait3A_156] : memref<2x3x2x112xi32, #tpu.memory_space<vmem>> -> memref<1x1x1x112xi32, #tpu.memory_space<vmem>>
        %dma_wait3A_158 = tpu.memref_squeeze %dma_wait3A_157 : memref<1x1x1x112xi32, #tpu.memory_space<vmem>> -> memref<112xi32, #tpu.memory_space<vmem>>
        %dma_wait3A_159 = arith.constant 0 : i32
        %dma_wait3A_160 = arith.constant 0 : i32
        %dma_wait3A_161 = tpu.memref_slice %arg10[%dma_wait3A_159, %dma_wait3A_160] : memref<10240x128xf32, #tpu.memory_space<vmem_shared>> -> memref<10240x128xf32, #tpu.memory_space<vmem_shared>>
        tpu.wait_indirect_dma semaphore(%arg16 : memref<!tpu.dma_semaphore, #tpu.memory_space<semaphore_mem>>) src(%arg9 : memref<112x128xf32, #tpu.memory_space<vmem>>) dst(%dma_wait3A_161 : memref<10240x128xf32, #tpu.memory_space<vmem_shared>>)
      } else {
      }
      %convert_element_type3A_89 = arith.extui %lt3A_70 : i1 to i32
      %cond3A_90 = arith.constant 0 : i32
      %cond3A_91 = arith.cmpi ne, %convert_element_type3A_89, %cond3A_90 : i32
      scf.if %cond3A_91 {
        %add3A_154 = arith.constant 1 : i32
        %add3A_155 = arith.addi %scan3A_39, %add3A_154 : i32
        %dma_start3A_156 = arith.constant 0 : i32
        %dma_start3A_157 = arith.constant 0 : i32
        %dma_start3A_158 = arith.constant 0 : i32
        %dma_start3A_159 = tpu.memref_slice %arg6[%select_n3A_66, %dma_start3A_156, %dma_start3A_157, %dma_start3A_158] : memref<2x3x2x112xi32, #tpu.memory_space<vmem>> -> memref<1x3x2x112xi32, #tpu.memory_space<vmem>>
        %dma_start3A_160 = tpu.memref_squeeze %dma_start3A_159 : memref<1x3x2x112xi32, #tpu.memory_space<vmem>> -> memref<3x2x112xi32, #tpu.memory_space<vmem>>
        %dma_start3A_161 = arith.constant 0 : i32
        %dma_start3A_162 = arith.constant 0 : i32
        %dma_start3A_163 = arith.constant 0 : i32
        %dma_start3A_164 = arith.constant 0 : i32
        %dma_start3A_165 = tpu.memref_slice %arg3[%add3A, %dma_start3A_161, %dma_start3A_162, %dma_start3A_163, %dma_start3A_164] : memref<32x30x3x2x112xi32, #tpu.memory_space<hbm>> -> memref<1x30x3x2x112xi32, #tpu.memory_space<hbm>>
        %dma_start3A_166 = tpu.memref_squeeze %dma_start3A_165 : memref<1x30x3x2x112xi32, #tpu.memory_space<hbm>> -> memref<30x3x2x112xi32, #tpu.memory_space<hbm>>
        %dma_start3A_167 = arith.constant 0 : i32
        %dma_start3A_168 = arith.constant 0 : i32
        %dma_start3A_169 = arith.constant 0 : i32
        %dma_start3A_170 = tpu.memref_slice %dma_start3A_166[%add3A_155, %dma_start3A_167, %dma_start3A_168, %dma_start3A_169] : memref<30x3x2x112xi32, #tpu.memory_space<hbm>> -> memref<1x3x2x112xi32, #tpu.memory_space<hbm>>
        %dma_start3A_171 = tpu.memref_squeeze %dma_start3A_170 : memref<1x3x2x112xi32, #tpu.memory_space<hbm>> -> memref<3x2x112xi32, #tpu.memory_space<hbm>>
        %dma_start3A_172 = arith.constant 0 : i32
        %dma_start3A_173 = arith.constant 0 : i32
        %dma_start3A_174 = arith.constant 0 : i32
        %dma_start3A_175 = tpu.memref_slice %arg6[%select_n3A_66, %dma_start3A_172, %dma_start3A_173, %dma_start3A_174] : memref<2x3x2x112xi32, #tpu.memory_space<vmem>> -> memref<1x3x2x112xi32, #tpu.memory_space<vmem>>
        %dma_start3A_176 = tpu.memref_squeeze %dma_start3A_175 : memref<1x3x2x112xi32, #tpu.memory_space<vmem>> -> memref<3x2x112xi32, #tpu.memory_space<vmem>>
        %dma_start3A_177 = arith.constant 0 : i32
        %dma_start3A_178 = arith.constant 0 : i32
        %dma_start3A_179 = arith.constant 0 : i32
        %dma_start3A_180 = arith.constant 0 : i32
        %dma_start3A_181 = tpu.memref_slice %arg3[%add3A, %dma_start3A_177, %dma_start3A_178, %dma_start3A_179, %dma_start3A_180] : memref<32x30x3x2x112xi32, #tpu.memory_space<hbm>> -> memref<1x30x3x2x112xi32, #tpu.memory_space<hbm>>
        %dma_start3A_182 = tpu.memref_squeeze %dma_start3A_181 : memref<1x30x3x2x112xi32, #tpu.memory_space<hbm>> -> memref<30x3x2x112xi32, #tpu.memory_space<hbm>>
        %dma_start3A_183 = arith.constant 0 : i32
        %dma_start3A_184 = arith.constant 0 : i32
        %dma_start3A_185 = arith.constant 0 : i32
        %dma_start3A_186 = tpu.memref_slice %dma_start3A_182[%add3A_155, %dma_start3A_183, %dma_start3A_184, %dma_start3A_185] : memref<30x3x2x112xi32, #tpu.memory_space<hbm>> -> memref<1x3x2x112xi32, #tpu.memory_space<hbm>>
        %dma_start3A_187 = tpu.memref_squeeze %dma_start3A_186 : memref<1x3x2x112xi32, #tpu.memory_space<hbm>> -> memref<3x2x112xi32, #tpu.memory_space<hbm>>
        tpu.enqueue_dma source(%dma_start3A_187 : memref<3x2x112xi32, #tpu.memory_space<hbm>>) target(%dma_start3A_176 : memref<3x2x112xi32, #tpu.memory_space<vmem>>) target_semaphore(%arg17 : memref<!tpu.dma_semaphore, #tpu.memory_space<semaphore_mem>>)
      } else {
      }
      %dma_start3A_92 = arith.constant 2 : i32
      %dma_start3A_93 = arith.constant 0 : i32
      %dma_start3A_94 = arith.constant 0 : i32
      %dma_start3A_95 = tpu.memref_slice %arg6[%select_n3A_48, %dma_start3A_92, %dma_start3A_93, %dma_start3A_94] : memref<2x3x2x112xi32, #tpu.memory_space<vmem>> -> memref<1x1x1x112xi32, #tpu.memory_space<vmem>>
      %dma_start3A_96 = tpu.memref_squeeze %dma_start3A_95 : memref<1x1x1x112xi32, #tpu.memory_space<vmem>> -> memref<112xi32, #tpu.memory_space<vmem>>
      %dma_start3A_97 = arith.constant 0 : i32
      %dma_start3A_98 = arith.constant 0 : i32
      %dma_start3A_99 = tpu.memref_slice %arg2[%dma_start3A_97, %dma_start3A_98] : memref<10000x128xf32, #tpu.memory_space<hbm>> -> memref<10000x128xf32, #tpu.memory_space<hbm>>
      tpu.enqueue_indirect_dma source(%dma_start3A_99 : memref<10000x128xf32, #tpu.memory_space<hbm>>) target(%arg9 : memref<112x128xf32, #tpu.memory_space<vmem>>) offsets(%dma_start3A_96 : memref<112xi32, #tpu.memory_space<vmem>>) semaphore(%arg13 : memref<!tpu.dma_semaphore, #tpu.memory_space<semaphore_mem>>)
      %dma_wait3A_100 = arith.constant 1 : i32
      %dma_wait3A_101 = arith.constant 0 : i32
      %dma_wait3A_102 = arith.constant 0 : i32
      %dma_wait3A_103 = tpu.memref_slice %arg6[%select_n3A_48, %dma_wait3A_100, %dma_wait3A_101, %dma_wait3A_102] : memref<2x3x2x112xi32, #tpu.memory_space<vmem>> -> memref<1x1x1x112xi32, #tpu.memory_space<vmem>>
      %dma_wait3A_104 = tpu.memref_squeeze %dma_wait3A_103 : memref<1x1x1x112xi32, #tpu.memory_space<vmem>> -> memref<112xi32, #tpu.memory_space<vmem>>
      %dma_wait3A_105 = arith.constant 0 : i32
      %dma_wait3A_106 = arith.constant 0 : i32
      %dma_wait3A_107 = tpu.memref_slice %arg2[%dma_wait3A_105, %dma_wait3A_106] : memref<10000x128xf32, #tpu.memory_space<hbm>> -> memref<10000x128xf32, #tpu.memory_space<hbm>>
      tpu.wait_indirect_dma semaphore(%arg12 : memref<!tpu.dma_semaphore, #tpu.memory_space<semaphore_mem>>) src(%dma_wait3A_107 : memref<10000x128xf32, #tpu.memory_space<hbm>>) dst(%arg8 : memref<112x128xf32, #tpu.memory_space<vmem>>)
      %dma_start3A_108 = arith.constant 1 : i32
      %dma_start3A_109 = arith.constant 1 : i32
      %dma_start3A_110 = arith.constant 0 : i32
      %dma_start3A_111 = tpu.memref_slice %arg6[%select_n3A_48, %dma_start3A_108, %dma_start3A_109, %dma_start3A_110] : memref<2x3x2x112xi32, #tpu.memory_space<vmem>> -> memref<1x1x1x112xi32, #tpu.memory_space<vmem>>
      %dma_start3A_112 = tpu.memref_squeeze %dma_start3A_111 : memref<1x1x1x112xi32, #tpu.memory_space<vmem>> -> memref<112xi32, #tpu.memory_space<vmem>>
      %dma_start3A_113 = arith.constant 0 : i32
      %dma_start3A_114 = arith.constant 0 : i32
      %dma_start3A_115 = tpu.memref_slice %arg10[%dma_start3A_113, %dma_start3A_114] : memref<10240x128xf32, #tpu.memory_space<vmem_shared>> -> memref<10240x128xf32, #tpu.memory_space<vmem_shared>>
      tpu.enqueue_indirect_dma source(%arg8 : memref<112x128xf32, #tpu.memory_space<vmem>>) target(%dma_start3A_115 : memref<10240x128xf32, #tpu.memory_space<vmem_shared>>) offsets(%dma_start3A_112 : memref<112xi32, #tpu.memory_space<vmem>>) semaphore(%arg15 : memref<!tpu.dma_semaphore, #tpu.memory_space<semaphore_mem>>) {add = true}
      %dma_wait3A_116 = arith.constant 0 : i32
      %dma_wait3A_117 = arith.constant 1 : i32
      %dma_wait3A_118 = arith.constant 0 : i32
      %dma_wait3A_119 = tpu.memref_slice %arg6[%select_n3A_48, %dma_wait3A_116, %dma_wait3A_117, %dma_wait3A_118] : memref<2x3x2x112xi32, #tpu.memory_space<vmem>> -> memref<1x1x1x112xi32, #tpu.memory_space<vmem>>
      %dma_wait3A_120 = tpu.memref_squeeze %dma_wait3A_119 : memref<1x1x1x112xi32, #tpu.memory_space<vmem>> -> memref<112xi32, #tpu.memory_space<vmem>>
      %dma_wait3A_121 = arith.constant 0 : i32
      %dma_wait3A_122 = arith.constant 0 : i32
      %dma_wait3A_123 = tpu.memref_slice %arg10[%dma_wait3A_121, %dma_wait3A_122] : memref<10240x128xf32, #tpu.memory_space<vmem_shared>> -> memref<10240x128xf32, #tpu.memory_space<vmem_shared>>
      tpu.wait_indirect_dma semaphore(%arg14 : memref<!tpu.dma_semaphore, #tpu.memory_space<semaphore_mem>>) src(%arg7 : memref<112x128xf32, #tpu.memory_space<vmem>>) dst(%dma_wait3A_123 : memref<10240x128xf32, #tpu.memory_space<vmem_shared>>)
      %convert_element_type3A_124 = arith.extui %lt3A_70 : i1 to i32
      %cond3A_125 = arith.constant 0 : i32
      %cond3A_126 = arith.cmpi ne, %convert_element_type3A_124, %cond3A_125 : i32
      scf.if %cond3A_126 {
        %add3A_154 = arith.constant 1 : i32
        %add3A_155 = arith.addi %scan3A_39, %add3A_154 : i32
        %dma_wait3A_156 = arith.constant 0 : i32
        %dma_wait3A_157 = arith.constant 0 : i32
        %dma_wait3A_158 = arith.constant 0 : i32
        %dma_wait3A_159 = tpu.memref_slice %arg6[%select_n3A_66, %dma_wait3A_156, %dma_wait3A_157, %dma_wait3A_158] : memref<2x3x2x112xi32, #tpu.memory_space<vmem>> -> memref<1x3x2x112xi32, #tpu.memory_space<vmem>>
        %dma_wait3A_160 = tpu.memref_squeeze %dma_wait3A_159 : memref<1x3x2x112xi32, #tpu.memory_space<vmem>> -> memref<3x2x112xi32, #tpu.memory_space<vmem>>
        %dma_wait3A_161 = arith.constant 0 : i32
        %dma_wait3A_162 = arith.constant 0 : i32
        %dma_wait3A_163 = arith.constant 0 : i32
        %dma_wait3A_164 = arith.constant 0 : i32
        %dma_wait3A_165 = tpu.memref_slice %arg3[%add3A, %dma_wait3A_161, %dma_wait3A_162, %dma_wait3A_163, %dma_wait3A_164] : memref<32x30x3x2x112xi32, #tpu.memory_space<hbm>> -> memref<1x30x3x2x112xi32, #tpu.memory_space<hbm>>
        %dma_wait3A_166 = tpu.memref_squeeze %dma_wait3A_165 : memref<1x30x3x2x112xi32, #tpu.memory_space<hbm>> -> memref<30x3x2x112xi32, #tpu.memory_space<hbm>>
        %dma_wait3A_167 = arith.constant 0 : i32
        %dma_wait3A_168 = arith.constant 0 : i32
        %dma_wait3A_169 = arith.constant 0 : i32
        %dma_wait3A_170 = tpu.memref_slice %dma_wait3A_166[%add3A_155, %dma_wait3A_167, %dma_wait3A_168, %dma_wait3A_169] : memref<30x3x2x112xi32, #tpu.memory_space<hbm>> -> memref<1x3x2x112xi32, #tpu.memory_space<hbm>>
        %dma_wait3A_171 = tpu.memref_squeeze %dma_wait3A_170 : memref<1x3x2x112xi32, #tpu.memory_space<hbm>> -> memref<3x2x112xi32, #tpu.memory_space<hbm>>
        %dma_wait3A_172 = arith.constant 0 : i32
        %dma_wait3A_173 = arith.constant 0 : i32
        %dma_wait3A_174 = arith.constant 0 : i32
        %dma_wait3A_175 = tpu.memref_slice %arg6[%select_n3A_66, %dma_wait3A_172, %dma_wait3A_173, %dma_wait3A_174] : memref<2x3x2x112xi32, #tpu.memory_space<vmem>> -> memref<1x3x2x112xi32, #tpu.memory_space<vmem>>
        %dma_wait3A_176 = tpu.memref_squeeze %dma_wait3A_175 : memref<1x3x2x112xi32, #tpu.memory_space<vmem>> -> memref<3x2x112xi32, #tpu.memory_space<vmem>>
        %dma_wait3A_177 = arith.constant 0 : i32
        %dma_wait3A_178 = arith.constant 0 : i32
        %dma_wait3A_179 = arith.constant 0 : i32
        %dma_wait3A_180 = arith.constant 0 : i32
        %dma_wait3A_181 = tpu.memref_slice %arg3[%add3A, %dma_wait3A_177, %dma_wait3A_178, %dma_wait3A_179, %dma_wait3A_180] : memref<32x30x3x2x112xi32, #tpu.memory_space<hbm>> -> memref<1x30x3x2x112xi32, #tpu.memory_space<hbm>>
        %dma_wait3A_182 = tpu.memref_squeeze %dma_wait3A_181 : memref<1x30x3x2x112xi32, #tpu.memory_space<hbm>> -> memref<30x3x2x112xi32, #tpu.memory_space<hbm>>
        %dma_wait3A_183 = arith.constant 0 : i32
        %dma_wait3A_184 = arith.constant 0 : i32
        %dma_wait3A_185 = arith.constant 0 : i32
        %dma_wait3A_186 = tpu.memref_slice %dma_wait3A_182[%add3A_155, %dma_wait3A_183, %dma_wait3A_184, %dma_wait3A_185] : memref<30x3x2x112xi32, #tpu.memory_space<hbm>> -> memref<1x3x2x112xi32, #tpu.memory_space<hbm>>
        %dma_wait3A_187 = tpu.memref_squeeze %dma_wait3A_186 : memref<1x3x2x112xi32, #tpu.memory_space<hbm>> -> memref<3x2x112xi32, #tpu.memory_space<hbm>>
        tpu.wait_dma2 semaphore(%arg17 : memref<!tpu.dma_semaphore, #tpu.memory_space<semaphore_mem>>) src(%dma_wait3A_187 : memref<3x2x112xi32, #tpu.memory_space<hbm>>) dst(%dma_wait3A_176 : memref<3x2x112xi32, #tpu.memory_space<vmem>>)
        %dma_start3A_188 = arith.constant 0 : i32
        %dma_start3A_189 = arith.constant 0 : i32
        %dma_start3A_190 = arith.constant 0 : i32
        %dma_start3A_191 = tpu.memref_slice %arg6[%select_n3A_66, %dma_start3A_188, %dma_start3A_189, %dma_start3A_190] : memref<2x3x2x112xi32, #tpu.memory_space<vmem>> -> memref<1x1x1x112xi32, #tpu.memory_space<vmem>>
        %dma_start3A_192 = tpu.memref_squeeze %dma_start3A_191 : memref<1x1x1x112xi32, #tpu.memory_space<vmem>> -> memref<112xi32, #tpu.memory_space<vmem>>
        %dma_start3A_193 = arith.constant 0 : i32
        %dma_start3A_194 = arith.constant 0 : i32
        %dma_start3A_195 = tpu.memref_slice %arg2[%dma_start3A_193, %dma_start3A_194] : memref<10000x128xf32, #tpu.memory_space<hbm>> -> memref<10000x128xf32, #tpu.memory_space<hbm>>
        tpu.enqueue_indirect_dma source(%dma_start3A_195 : memref<10000x128xf32, #tpu.memory_space<hbm>>) target(%arg7 : memref<112x128xf32, #tpu.memory_space<vmem>>) offsets(%dma_start3A_192 : memref<112xi32, #tpu.memory_space<vmem>>) semaphore(%arg11 : memref<!tpu.dma_semaphore, #tpu.memory_space<semaphore_mem>>)
      } else {
      }
      %dma_wait3A_127 = arith.constant 2 : i32
      %dma_wait3A_128 = arith.constant 0 : i32
      %dma_wait3A_129 = arith.constant 0 : i32
      %dma_wait3A_130 = tpu.memref_slice %arg6[%select_n3A_48, %dma_wait3A_127, %dma_wait3A_128, %dma_wait3A_129] : memref<2x3x2x112xi32, #tpu.memory_space<vmem>> -> memref<1x1x1x112xi32, #tpu.memory_space<vmem>>
      %dma_wait3A_131 = tpu.memref_squeeze %dma_wait3A_130 : memref<1x1x1x112xi32, #tpu.memory_space<vmem>> -> memref<112xi32, #tpu.memory_space<vmem>>
      %dma_wait3A_132 = arith.constant 0 : i32
      %dma_wait3A_133 = arith.constant 0 : i32
      %dma_wait3A_134 = tpu.memref_slice %arg2[%dma_wait3A_132, %dma_wait3A_133] : memref<10000x128xf32, #tpu.memory_space<hbm>> -> memref<10000x128xf32, #tpu.memory_space<hbm>>
      tpu.wait_indirect_dma semaphore(%arg13 : memref<!tpu.dma_semaphore, #tpu.memory_space<semaphore_mem>>) src(%dma_wait3A_134 : memref<10000x128xf32, #tpu.memory_space<hbm>>) dst(%arg9 : memref<112x128xf32, #tpu.memory_space<vmem>>)
      %dma_start3A_135 = arith.constant 2 : i32
      %dma_start3A_136 = arith.constant 1 : i32
      %dma_start3A_137 = arith.constant 0 : i32
      %dma_start3A_138 = tpu.memref_slice %arg6[%select_n3A_48, %dma_start3A_135, %dma_start3A_136, %dma_start3A_137] : memref<2x3x2x112xi32, #tpu.memory_space<vmem>> -> memref<1x1x1x112xi32, #tpu.memory_space<vmem>>
      %dma_start3A_139 = tpu.memref_squeeze %dma_start3A_138 : memref<1x1x1x112xi32, #tpu.memory_space<vmem>> -> memref<112xi32, #tpu.memory_space<vmem>>
      %dma_start3A_140 = arith.constant 0 : i32
      %dma_start3A_141 = arith.constant 0 : i32
      %dma_start3A_142 = tpu.memref_slice %arg10[%dma_start3A_140, %dma_start3A_141] : memref<10240x128xf32, #tpu.memory_space<vmem_shared>> -> memref<10240x128xf32, #tpu.memory_space<vmem_shared>>
      tpu.enqueue_indirect_dma source(%arg9 : memref<112x128xf32, #tpu.memory_space<vmem>>) target(%dma_start3A_142 : memref<10240x128xf32, #tpu.memory_space<vmem_shared>>) offsets(%dma_start3A_139 : memref<112xi32, #tpu.memory_space<vmem>>) semaphore(%arg16 : memref<!tpu.dma_semaphore, #tpu.memory_space<semaphore_mem>>) {add = true}
      %dma_wait3A_143 = arith.constant 1 : i32
      %dma_wait3A_144 = arith.constant 1 : i32
      %dma_wait3A_145 = arith.constant 0 : i32
      %dma_wait3A_146 = tpu.memref_slice %arg6[%select_n3A_48, %dma_wait3A_143, %dma_wait3A_144, %dma_wait3A_145] : memref<2x3x2x112xi32, #tpu.memory_space<vmem>> -> memref<1x1x1x112xi32, #tpu.memory_space<vmem>>
      %dma_wait3A_147 = tpu.memref_squeeze %dma_wait3A_146 : memref<1x1x1x112xi32, #tpu.memory_space<vmem>> -> memref<112xi32, #tpu.memory_space<vmem>>
      %dma_wait3A_148 = arith.constant 0 : i32
      %dma_wait3A_149 = arith.constant 0 : i32
      %dma_wait3A_150 = tpu.memref_slice %arg10[%dma_wait3A_148, %dma_wait3A_149] : memref<10240x128xf32, #tpu.memory_space<vmem_shared>> -> memref<10240x128xf32, #tpu.memory_space<vmem_shared>>
      tpu.wait_indirect_dma semaphore(%arg15 : memref<!tpu.dma_semaphore, #tpu.memory_space<semaphore_mem>>) src(%arg8 : memref<112x128xf32, #tpu.memory_space<vmem>>) dst(%dma_wait3A_150 : memref<10240x128xf32, #tpu.memory_space<vmem_shared>>)
      %convert_element_type3A_151 = arith.extui %lt3A_70 : i1 to i32
      %cond3A_152 = arith.constant 0 : i32
      %cond3A_153 = arith.cmpi ne, %convert_element_type3A_151, %cond3A_152 : i32
      scf.if %cond3A_153 {
        %dma_start3A_154 = arith.constant 1 : i32
        %dma_start3A_155 = arith.constant 0 : i32
        %dma_start3A_156 = arith.constant 0 : i32
        %dma_start3A_157 = tpu.memref_slice %arg6[%select_n3A_66, %dma_start3A_154, %dma_start3A_155, %dma_start3A_156] : memref<2x3x2x112xi32, #tpu.memory_space<vmem>> -> memref<1x1x1x112xi32, #tpu.memory_space<vmem>>
        %dma_start3A_158 = tpu.memref_squeeze %dma_start3A_157 : memref<1x1x1x112xi32, #tpu.memory_space<vmem>> -> memref<112xi32, #tpu.memory_space<vmem>>
        %dma_start3A_159 = arith.constant 0 : i32
        %dma_start3A_160 = arith.constant 0 : i32
        %dma_start3A_161 = tpu.memref_slice %arg2[%dma_start3A_159, %dma_start3A_160] : memref<10000x128xf32, #tpu.memory_space<hbm>> -> memref<10000x128xf32, #tpu.memory_space<hbm>>
        tpu.enqueue_indirect_dma source(%dma_start3A_161 : memref<10000x128xf32, #tpu.memory_space<hbm>>) target(%arg8 : memref<112x128xf32, #tpu.memory_space<vmem>>) offsets(%dma_start3A_158 : memref<112xi32, #tpu.memory_space<vmem>>) semaphore(%arg12 : memref<!tpu.dma_semaphore, #tpu.memory_space<semaphore_mem>>)
      } else {
      }
    }
    %scan3A_25 = arith.constant 30 : i32
    %dma_wait3A = arith.constant 1 : i32
    %dma_wait3A_26 = arith.constant 2 : i32
    %dma_wait3A_27 = arith.constant 1 : i32
    %dma_wait3A_28 = arith.constant 0 : i32
    %dma_wait3A_29 = tpu.memref_slice %arg6[%dma_wait3A, %dma_wait3A_26, %dma_wait3A_27, %dma_wait3A_28] : memref<2x3x2x112xi32, #tpu.memory_space<vmem>> -> memref<1x1x1x112xi32, #tpu.memory_space<vmem>>
    %dma_wait3A_30 = tpu.memref_squeeze %dma_wait3A_29 : memref<1x1x1x112xi32, #tpu.memory_space<vmem>> -> memref<112xi32, #tpu.memory_space<vmem>>
    %dma_wait3A_31 = arith.constant 0 : i32
    %dma_wait3A_32 = arith.constant 0 : i32
    %dma_wait3A_33 = tpu.memref_slice %arg10[%dma_wait3A_31, %dma_wait3A_32] : memref<10240x128xf32, #tpu.memory_space<vmem_shared>> -> memref<10240x128xf32, #tpu.memory_space<vmem_shared>>
    tpu.wait_indirect_dma semaphore(%arg16 : memref<!tpu.dma_semaphore, #tpu.memory_space<semaphore_mem>>) src(%arg9 : memref<112x128xf32, #tpu.memory_space<vmem>>) dst(%dma_wait3A_33 : memref<10240x128xf32, #tpu.memory_space<vmem_shared>>)
    %barrier3A_34 = arith.constant 0 : index
    tpu.barrier barrier_id(%barrier3A_34)
    %mul3A_35 = arith.constant 640 : i32
    %mul3A_36 = arith.muli %arg1, %mul3A_35 : i32
    %mul3A_37 = arith.constant 640 : i32
    %mul3A_38 = arith.muli %arg1, %mul3A_37 : i32
    "tpu.region"() ({
      %run_scoped3A_39 = tpu.sem_alloc : memref<!tpu.dma_semaphore, #tpu.memory_space<semaphore_mem>>
      %dma_start3A_40 = arith.constant 0 : i32
      %dma_start3A_41 = tpu.memref_slice %arg5[%arg0, %mul3A_38, %dma_start3A_40] : memref<2x10240x128xf32, #tpu.memory_space<hbm>> -> memref<1x640x128xf32, #tpu.memory_space<hbm>>
      %dma_start3A_42 = tpu.memref_squeeze %dma_start3A_41 : memref<1x640x128xf32, #tpu.memory_space<hbm>> -> memref<640x128xf32, #tpu.memory_space<hbm>>
      %dma_start3A_43 = arith.constant 0 : i32
      %dma_start3A_44 = tpu.memref_slice %arg10[%mul3A_36, %dma_start3A_43] : memref<10240x128xf32, #tpu.memory_space<vmem_shared>> -> memref<640x128xf32, #tpu.memory_space<vmem_shared>>
      tpu.enqueue_dma source(%dma_start3A_44 : memref<640x128xf32, #tpu.memory_space<vmem_shared>>) target(%dma_start3A_42 : memref<640x128xf32, #tpu.memory_space<hbm>>) target_semaphore(%run_scoped3A_39 : memref<!tpu.dma_semaphore, #tpu.memory_space<semaphore_mem>>)
      %dma_wait3A_45 = arith.constant 0 : i32
      %dma_wait3A_46 = tpu.memref_slice %arg5[%arg0, %mul3A_38, %dma_wait3A_45] : memref<2x10240x128xf32, #tpu.memory_space<hbm>> -> memref<1x640x128xf32, #tpu.memory_space<hbm>>
      %dma_wait3A_47 = tpu.memref_squeeze %dma_wait3A_46 : memref<1x640x128xf32, #tpu.memory_space<hbm>> -> memref<640x128xf32, #tpu.memory_space<hbm>>
      %dma_wait3A_48 = arith.constant 0 : i32
      %dma_wait3A_49 = tpu.memref_slice %arg10[%mul3A_36, %dma_wait3A_48] : memref<10240x128xf32, #tpu.memory_space<vmem_shared>> -> memref<640x128xf32, #tpu.memory_space<vmem_shared>>
      tpu.wait_dma2 semaphore(%run_scoped3A_39 : memref<!tpu.dma_semaphore, #tpu.memory_space<semaphore_mem>>) src(%dma_wait3A_49 : memref<640x128xf32, #tpu.memory_space<vmem_shared>>) dst(%dma_wait3A_47 : memref<640x128xf32, #tpu.memory_space<hbm>>)
      tpu.yield
    }) : () -> ()
    return
  }
}

module attributes {stable_mosaic.version = 14 : i64} {
  func.func @_pre_body(%arg0: i32, %arg1: memref<5000x128xf32, #tpu.memory_space<vmem>>, %arg2: memref<128x128xf32, #tpu.memory_space<vmem>>, %arg3: memref<2x5000x1xf32, #tpu.memory_space<vmem>>, %arg4: memref<5000x128xf32, #tpu.memory_space<vmem>>) attributes {dimension_semantics = [#tpu.dimension_semantics<arbitrary>], iteration_bounds = array<i64: 2>, scalar_prefetch = 0 : i64, scratch_operands = 0 : i64, tpu.core_type = #tpu.core_type<tc>, window_params = [{transform_indices = @transform_0, window_bounds = array<i64: 5000, 128>}, {pipeline_mode = #tpu.pipeline_mode<synchronous>, transform_indices = @transform_1, window_bounds = array<i64: 128, 128>}, {transform_indices = @transform_2, window_bounds = array<i64: 2, 5000, 1>}, {transform_indices = @transform_3, window_bounds = array<i64: 5000, 128>}]} {
    %get3A = arith.constant 0 : index
    %get3A_0 = arith.constant 0 : index
    %get3A_1 = vector.load %arg1[%get3A, %get3A_0] : memref<5000x128xf32, #tpu.memory_space<vmem>>, vector<5000x128xf32>
    %get3A_2 = arith.constant 0 : index
    %get3A_3 = arith.constant 0 : index
    %get3A_4 = vector.load %arg2[%get3A_2, %get3A_3] : memref<128x128xf32, #tpu.memory_space<vmem>>, vector<128x128xf32>
    %dot_general3A = arith.constant dense<0.000000e+00> : vector<5000x128xf32>
    %dot_general3A_5 = tpu.matmul %get3A_1, %get3A_4, %dot_general3A {dimension_numbers = #tpu.dot_dimension_numbers<[1], [0], [0], [1], [0, 0, 1, 1], [], []>, transpose_lhs_hint = false} : vector<5000x128xf32>, vector<128x128xf32>, vector<5000x128xf32> -> vector<5000x128xf32>
    %get3A_6 = arith.constant 0 : index
    %get3A_7 = arith.constant 0 : index
    %get3A_8 = arith.constant 0 : index
    %get3A_9 = vector.load %arg3[%get3A_6, %get3A_7, %get3A_8] : memref<2x5000x1xf32, #tpu.memory_space<vmem>>, vector<1x5000x1xf32>
    %get3A_10 = vector.shape_cast %get3A_9 : vector<1x5000x1xf32> to vector<5000x1xf32>
    %get3A_11 = arith.constant 1 : index
    %get3A_12 = arith.constant 0 : index
    %get3A_13 = arith.constant 0 : index
    %get3A_14 = vector.load %arg3[%get3A_11, %get3A_12, %get3A_13] : memref<2x5000x1xf32, #tpu.memory_space<vmem>>, vector<1x5000x1xf32>
    %get3A_15 = vector.shape_cast %get3A_14 : vector<1x5000x1xf32> to vector<5000x1xf32>
    %add3A = arith.addf %get3A_10, %get3A_15 : vector<5000x1xf32>
    %add3A_16 = arith.constant 1.000000e+00 : f32
    %add3A_17 = vector.broadcast %add3A_16 : f32 to vector<5000x1xf32>
    %add3A_18 = arith.addf %add3A, %add3A_17 : vector<5000x1xf32>
    %rsqrt3A = math.rsqrt %add3A_18 : vector<5000x1xf32>
    %mul3A = vector.broadcast %rsqrt3A : vector<5000x1xf32> to vector<5000x128xf32>
    %mul3A_19 = arith.mulf %dot_general3A_5, %mul3A : vector<5000x128xf32>
    %swap3A = arith.constant 0 : index
    %swap3A_20 = arith.constant 0 : index
    %swap3A_21 = vector.load %arg4[%swap3A, %swap3A_20] : memref<5000x128xf32, #tpu.memory_space<vmem>>, vector<5000x128xf32>
    tpu.vector_store %arg4[%swap3A, %swap3A_20], %mul3A_19 {strides = array<i32>} : memref<5000x128xf32, #tpu.memory_space<vmem>>, vector<5000x128xf32>,
    return
  }
  func.func @transform_0(%arg0: i32) -> (i32, i32) {
    %c0_i32 = arith.constant 0 : i32
    %c0_i32_0 = arith.constant 0 : i32
    return %arg0, %c0_i32 : i32, i32
  }
  func.func @transform_1(%arg0: i32) -> (i32, i32) {
    %c0_i32 = arith.constant 0 : i32
    %c0_i32_0 = arith.constant 0 : i32
    %c0_i32_1 = arith.constant 0 : i32
    return %c0_i32, %c0_i32_0 : i32, i32
  }
  func.func @transform_2(%arg0: i32) -> (i32, i32, i32) {
    %c0_i32 = arith.constant 0 : i32
    %c0_i32_0 = arith.constant 0 : i32
    %c0_i32_1 = arith.constant 0 : i32
    return %c0_i32, %arg0, %c0_i32_0 : i32, i32, i32
  }
  func.func @transform_3(%arg0: i32) -> (i32, i32) {
    %c0_i32 = arith.constant 0 : i32
    %c0_i32_0 = arith.constant 0 : i32
    return %arg0, %c0_i32 : i32, i32
  }
}

module attributes {stable_mosaic.version = 14 : i64} {
  func.func @_mid_body(%arg0: i32, %arg1: memref<2x5000x128xf32, #tpu.memory_space<vmem>>, %arg2: memref<5000x128xf32, #tpu.memory_space<vmem>>, %arg3: memref<2x5000x1xf32, #tpu.memory_space<vmem>>, %arg4: memref<128x128xf32, #tpu.memory_space<vmem>>, %arg5: memref<1x128xf32, #tpu.memory_space<vmem>>, %arg6: memref<5000x128xf32, #tpu.memory_space<vmem>>) attributes {dimension_semantics = [#tpu.dimension_semantics<arbitrary>], iteration_bounds = array<i64: 2>, scalar_prefetch = 0 : i64, scratch_operands = 0 : i64, tpu.core_type = #tpu.core_type<tc>, window_params = [{transform_indices = @transform_0, window_bounds = array<i64: 2, 5000, 128>}, {transform_indices = @transform_1, window_bounds = array<i64: 5000, 128>}, {transform_indices = @transform_2, window_bounds = array<i64: 2, 5000, 1>}, {pipeline_mode = #tpu.pipeline_mode<synchronous>, transform_indices = @transform_3, window_bounds = array<i64: 128, 128>}, {pipeline_mode = #tpu.pipeline_mode<synchronous>, transform_indices = @transform_4, window_bounds = array<i64: 1, 128>}, {transform_indices = @transform_5, window_bounds = array<i64: 5000, 128>}]} {
    %get3A = arith.constant 0 : index
    %get3A_0 = arith.constant 0 : index
    %get3A_1 = arith.constant 0 : index
    %get3A_2 = vector.load %arg3[%get3A, %get3A_0, %get3A_1] : memref<2x5000x1xf32, #tpu.memory_space<vmem>>, vector<1x5000x1xf32>
    %get3A_3 = vector.shape_cast %get3A_2 : vector<1x5000x1xf32> to vector<5000x1xf32>
    %get3A_4 = arith.constant 1 : index
    %get3A_5 = arith.constant 0 : index
    %get3A_6 = arith.constant 0 : index
    %get3A_7 = vector.load %arg3[%get3A_4, %get3A_5, %get3A_6] : memref<2x5000x1xf32, #tpu.memory_space<vmem>>, vector<1x5000x1xf32>
    %get3A_8 = vector.shape_cast %get3A_7 : vector<1x5000x1xf32> to vector<5000x1xf32>
    %add3A = arith.addf %get3A_3, %get3A_8 : vector<5000x1xf32>
    %add3A_9 = arith.constant 1.000000e+00 : f32
    %add3A_10 = vector.broadcast %add3A_9 : f32 to vector<5000x1xf32>
    %add3A_11 = arith.addf %add3A, %add3A_10 : vector<5000x1xf32>
    %rsqrt3A = math.rsqrt %add3A_11 : vector<5000x1xf32>
    %get3A_12 = arith.constant 0 : index
    %get3A_13 = arith.constant 0 : index
    %get3A_14 = arith.constant 0 : index
    %get3A_15 = vector.load %arg1[%get3A_12, %get3A_13, %get3A_14] : memref<2x5000x128xf32, #tpu.memory_space<vmem>>, vector<1x5000x128xf32>
    %get3A_16 = vector.shape_cast %get3A_15 : vector<1x5000x128xf32> to vector<5000x128xf32>
    %get3A_17 = arith.constant 1 : index
    %get3A_18 = arith.constant 0 : index
    %get3A_19 = arith.constant 0 : index
    %get3A_20 = vector.load %arg1[%get3A_17, %get3A_18, %get3A_19] : memref<2x5000x128xf32, #tpu.memory_space<vmem>>, vector<1x5000x128xf32>
    %get3A_21 = vector.shape_cast %get3A_20 : vector<1x5000x128xf32> to vector<5000x128xf32>
    %add3A_22 = arith.addf %get3A_16, %get3A_21 : vector<5000x128xf32>
    %get3A_23 = arith.constant 0 : index
    %get3A_24 = arith.constant 0 : index
    %get3A_25 = vector.load %arg2[%get3A_23, %get3A_24] : memref<5000x128xf32, #tpu.memory_space<vmem>>, vector<5000x128xf32>
    %add3A_26 = arith.addf %add3A_22, %get3A_25 : vector<5000x128xf32>
    %mul3A = vector.broadcast %rsqrt3A : vector<5000x1xf32> to vector<5000x128xf32>
    %mul3A_27 = arith.mulf %mul3A, %add3A_26 : vector<5000x128xf32>
    %get3A_28 = arith.constant 0 : index
    %get3A_29 = arith.constant 0 : index
    %get3A_30 = vector.load %arg5[%get3A_28, %get3A_29] : memref<1x128xf32, #tpu.memory_space<vmem>>, vector<1x128xf32>
    %add3A_31 = vector.broadcast %get3A_30 : vector<1x128xf32> to vector<5000x128xf32>
    %add3A_32 = arith.addf %mul3A_27, %add3A_31 : vector<5000x128xf32>
    %max3A = arith.constant 0.000000e+00 : f32
    %max3A_33 = vector.broadcast %max3A : f32 to vector<5000x128xf32>
    %max3A_34 = arith.maximumf %add3A_32, %max3A_33 : vector<5000x128xf32>
    %get3A_35 = arith.constant 0 : index
    %get3A_36 = arith.constant 0 : index
    %get3A_37 = vector.load %arg4[%get3A_35, %get3A_36] : memref<128x128xf32, #tpu.memory_space<vmem>>, vector<128x128xf32>
    %dot_general3A = arith.constant dense<0.000000e+00> : vector<5000x128xf32>
    %dot_general3A_38 = tpu.matmul %max3A_34, %get3A_37, %dot_general3A {dimension_numbers = #tpu.dot_dimension_numbers<[1], [0], [0], [1], [0, 0, 1, 1], [], []>, transpose_lhs_hint = false} : vector<5000x128xf32>, vector<128x128xf32>, vector<5000x128xf32> -> vector<5000x128xf32>
    %mul3A_39 = vector.broadcast %rsqrt3A : vector<5000x1xf32> to vector<5000x128xf32>
    %mul3A_40 = arith.mulf %dot_general3A_38, %mul3A_39 : vector<5000x128xf32>
    %swap3A = arith.constant 0 : index
    %swap3A_41 = arith.constant 0 : index
    %swap3A_42 = vector.load %arg6[%swap3A, %swap3A_41] : memref<5000x128xf32, #tpu.memory_space<vmem>>, vector<5000x128xf32>
    tpu.vector_store %arg6[%swap3A, %swap3A_41], %mul3A_40 {strides = array<i32>} : memref<5000x128xf32, #tpu.memory_space<vmem>>, vector<5000x128xf32>,
    return
  }
  func.func @transform_0(%arg0: i32) -> (i32, i32, i32) {
    %c0_i32 = arith.constant 0 : i32
    %c0_i32_0 = arith.constant 0 : i32
    %c0_i32_1 = arith.constant 0 : i32
    return %c0_i32, %arg0, %c0_i32_0 : i32, i32, i32
  }
  func.func @transform_1(%arg0: i32) -> (i32, i32) {
    %c0_i32 = arith.constant 0 : i32
    %c0_i32_0 = arith.constant 0 : i32
    return %arg0, %c0_i32 : i32, i32
  }
  func.func @transform_2(%arg0: i32) -> (i32, i32, i32) {
    %c0_i32 = arith.constant 0 : i32
    %c0_i32_0 = arith.constant 0 : i32
    %c0_i32_1 = arith.constant 0 : i32
    return %c0_i32, %arg0, %c0_i32_0 : i32, i32, i32
  }
  func.func @transform_3(%arg0: i32) -> (i32, i32) {
    %c0_i32 = arith.constant 0 : i32
    %c0_i32_0 = arith.constant 0 : i32
    %c0_i32_1 = arith.constant 0 : i32
    return %c0_i32, %c0_i32_0 : i32, i32
  }
  func.func @transform_4(%arg0: i32) -> (i32, i32) {
    %c0_i32 = arith.constant 0 : i32
    %c0_i32_0 = arith.constant 0 : i32
    %c0_i32_1 = arith.constant 0 : i32
    return %c0_i32, %c0_i32_0 : i32, i32
  }
  func.func @transform_5(%arg0: i32) -> (i32, i32) {
    %c0_i32 = arith.constant 0 : i32
    %c0_i32_0 = arith.constant 0 : i32
    return %arg0, %c0_i32 : i32, i32
  }
}

module attributes {stable_mosaic.version = 14 : i64} {
  func.func @_post_body(%arg0: i32, %arg1: memref<2x5000x128xf32, #tpu.memory_space<vmem>>, %arg2: memref<5000x128xf32, #tpu.memory_space<vmem>>, %arg3: memref<2x5000x1xf32, #tpu.memory_space<vmem>>, %arg4: memref<1x128xf32, #tpu.memory_space<vmem>>, %arg5: memref<5000x128xf32, #tpu.memory_space<vmem>>) attributes {dimension_semantics = [#tpu.dimension_semantics<arbitrary>], iteration_bounds = array<i64: 2>, scalar_prefetch = 0 : i64, scratch_operands = 0 : i64, tpu.core_type = #tpu.core_type<tc>, window_params = [{transform_indices = @transform_0, window_bounds = array<i64: 2, 5000, 128>}, {transform_indices = @transform_1, window_bounds = array<i64: 5000, 128>}, {transform_indices = @transform_2, window_bounds = array<i64: 2, 5000, 1>}, {pipeline_mode = #tpu.pipeline_mode<synchronous>, transform_indices = @transform_3, window_bounds = array<i64: 1, 128>}, {transform_indices = @transform_4, window_bounds = array<i64: 5000, 128>}]} {
    %get3A = arith.constant 0 : index
    %get3A_0 = arith.constant 0 : index
    %get3A_1 = arith.constant 0 : index
    %get3A_2 = vector.load %arg3[%get3A, %get3A_0, %get3A_1] : memref<2x5000x1xf32, #tpu.memory_space<vmem>>, vector<1x5000x1xf32>
    %get3A_3 = vector.shape_cast %get3A_2 : vector<1x5000x1xf32> to vector<5000x1xf32>
    %get3A_4 = arith.constant 1 : index
    %get3A_5 = arith.constant 0 : index
    %get3A_6 = arith.constant 0 : index
    %get3A_7 = vector.load %arg3[%get3A_4, %get3A_5, %get3A_6] : memref<2x5000x1xf32, #tpu.memory_space<vmem>>, vector<1x5000x1xf32>
    %get3A_8 = vector.shape_cast %get3A_7 : vector<1x5000x1xf32> to vector<5000x1xf32>
    %add3A = arith.addf %get3A_3, %get3A_8 : vector<5000x1xf32>
    %add3A_9 = arith.constant 1.000000e+00 : f32
    %add3A_10 = vector.broadcast %add3A_9 : f32 to vector<5000x1xf32>
    %add3A_11 = arith.addf %add3A, %add3A_10 : vector<5000x1xf32>
    %rsqrt3A = math.rsqrt %add3A_11 : vector<5000x1xf32>
    %get3A_12 = arith.constant 0 : index
    %get3A_13 = arith.constant 0 : index
    %get3A_14 = arith.constant 0 : index
    %get3A_15 = vector.load %arg1[%get3A_12, %get3A_13, %get3A_14] : memref<2x5000x128xf32, #tpu.memory_space<vmem>>, vector<1x5000x128xf32>
    %get3A_16 = vector.shape_cast %get3A_15 : vector<1x5000x128xf32> to vector<5000x128xf32>
    %get3A_17 = arith.constant 1 : index
    %get3A_18 = arith.constant 0 : index
    %get3A_19 = arith.constant 0 : index
    %get3A_20 = vector.load %arg1[%get3A_17, %get3A_18, %get3A_19] : memref<2x5000x128xf32, #tpu.memory_space<vmem>>, vector<1x5000x128xf32>
    %get3A_21 = vector.shape_cast %get3A_20 : vector<1x5000x128xf32> to vector<5000x128xf32>
    %add3A_22 = arith.addf %get3A_16, %get3A_21 : vector<5000x128xf32>
    %get3A_23 = arith.constant 0 : index
    %get3A_24 = arith.constant 0 : index
    %get3A_25 = vector.load %arg2[%get3A_23, %get3A_24] : memref<5000x128xf32, #tpu.memory_space<vmem>>, vector<5000x128xf32>
    %add3A_26 = arith.addf %add3A_22, %get3A_25 : vector<5000x128xf32>
    %mul3A = vector.broadcast %rsqrt3A : vector<5000x1xf32> to vector<5000x128xf32>
    %mul3A_27 = arith.mulf %mul3A, %add3A_26 : vector<5000x128xf32>
    %get3A_28 = arith.constant 0 : index
    %get3A_29 = arith.constant 0 : index
    %get3A_30 = vector.load %arg4[%get3A_28, %get3A_29] : memref<1x128xf32, #tpu.memory_space<vmem>>, vector<1x128xf32>
    %add3A_31 = vector.broadcast %get3A_30 : vector<1x128xf32> to vector<5000x128xf32>
    %add3A_32 = arith.addf %mul3A_27, %add3A_31 : vector<5000x128xf32>
    %swap3A = arith.constant 0 : index
    %swap3A_33 = arith.constant 0 : index
    %swap3A_34 = vector.load %arg5[%swap3A, %swap3A_33] : memref<5000x128xf32, #tpu.memory_space<vmem>>, vector<5000x128xf32>
    tpu.vector_store %arg5[%swap3A, %swap3A_33], %add3A_32 {strides = array<i32>} : memref<5000x128xf32, #tpu.memory_space<vmem>>, vector<5000x128xf32>,
    return
  }
  func.func @transform_0(%arg0: i32) -> (i32, i32, i32) {
    %c0_i32 = arith.constant 0 : i32
    %c0_i32_0 = arith.constant 0 : i32
    %c0_i32_1 = arith.constant 0 : i32
    return %c0_i32, %arg0, %c0_i32_0 : i32, i32, i32
  }
  func.func @transform_1(%arg0: i32) -> (i32, i32) {
    %c0_i32 = arith.constant 0 : i32
    %c0_i32_0 = arith.constant 0 : i32
    return %arg0, %c0_i32 : i32, i32
  }
  func.func @transform_2(%arg0: i32) -> (i32, i32, i32) {
    %c0_i32 = arith.constant 0 : i32
    %c0_i32_0 = arith.constant 0 : i32
    %c0_i32_1 = arith.constant 0 : i32
    return %c0_i32, %arg0, %c0_i32_0 : i32, i32, i32
  }
  func.func @transform_3(%arg0: i32) -> (i32, i32) {
    %c0_i32 = arith.constant 0 : i32
    %c0_i32_0 = arith.constant 0 : i32
    %c0_i32_1 = arith.constant 0 : i32
    return %c0_i32, %c0_i32_0 : i32, i32
  }
  func.func @transform_4(%arg0: i32) -> (i32, i32) {
    %c0_i32 = arith.constant 0 : i32
    %c0_i32_0 = arith.constant 0 : i32
    return %arg0, %c0_i32 : i32, i32
  }
}

</mosaic_0001>

<sc_bundles>
// kernel: kernel.11.cloned.1.call-start
scs
__scs_entry_jumppad:
0x0: {  	(pc) =	sbr.rel $0x88, $3  }
0x1: {  	(tag) =	ssettag $0x0;
	lr =	simm.s32 $0x1  }
0x2: {  	[smem:$0x3F9B] =	sst lr;
	_ =	strace $0xD0000000  }
0x3: {  	_ = 	snop  }
0x4: {  	_ = 	snop  }
0x5: {  	_ = 	snop  }
0x6: {  	_ = 	snop  }
0x7: {  	_ = 	snop  }
__scs_overlays_trampoline_lowered:
0x8: {  	[smem:$0x3FAA] =	sst s0  }
0x9: {  	[smem:$0x3FAB] =	sst s1  }
0xa: {  	[smem:$0x3FAC] =	sst s2  }
0xb: {  	[smem:$0x3FAD] =	sst s3  }
0xc: {  	[smem:$0x3FAE] =	sst s4  }
0xd: {  	[smem:$0x3FAF] =	sst s5  }
0xe: {  	[smem:$0x3FB0] =	sst s6  }
0xf: {  	[smem:$0x3FB1] =	sst s7  }
0x10: {  	[smem:$0x3FB2] =	sst s8  }
0x11: {  	[smem:$0x3FB3] =	sst s9;
	s0 =	simm.s32 @!p0 $0x0  }
0x12: {  	s1 =	sld [smem:$0x3F99];
	s0 =	simm.s32 @p0 $0x1  }
0x13: {  	[smem:$0x3FB4] =	sst s0;
	s0 =	simm.s32 @!p1 $0x0  }
0x14: {  	s2 =	sld [smem:$0x3F98];
	s0 =	simm.s32 @p1 $0x1  }
0x15: {  	[smem:$0x3FB5] =	sst s0;
	s0 =	simm.s32 @!p2 $0x0  }
0x16: {  	s3 =	sld [smem:$0x3FDB];
	s0 =	simm.s32 @p2 $0x1  }
0x17: {  	s4 =	simm.s32 $0x1BF5;
	[smem:$0x3FB7] =	sst s0  }
0x18: {  	s0 =	sld [smem:$0x3F9A];
	_ =	swait.ge [sflag:s4], $0x0  }
0x19: {  	s7 =	sld [smem:$0x3F9B]  }
0x1a: {  	s8 =	sadd.s32 $0xFFFFE003, lr  }
0x1b: {  	s9 =	sadd.s32 $0xFFFFFEF7, lr;
	s5 =	simm.s32 $0xFFFFFFFF;
	p2 =	slt.u32 s8, $0xFFFFF086  }
0x1c: {  	p1 =	slt.u32 s9, $0xF7A;
	s5 =	simm.s32 @!p2 $0x0  }
0x1d: {  	s5 =	simm.s32 @p1 $0x1;
	p0 =	seq.s32 s7, s2  }
0x1e: {  	s7 =	smul.u32 @!p0 $0xF7A, s2;
	p2 =	seq.s32 @!p0 s5, $0x0  }
0x1f: {  	s9 =	smul.u32 $0xF7A, s1;
	s8 =	simm.s32 @!p0 $0x1BF5;
	p2 =	por !p2, p0  }
0x20: {  	[sflag:s8] =	ssyncset.s32 @!p0 $0xFFFFF086;
	s6 =	sadd.s32 @!p0 s3, s7;
	s7 =	simm.s32 @!p0 $0x108  }
0x21: {  	s3 =	sadd.s32 s3, s9;
	s6 =	sadd.s32 @!p0 $0x88, s6;
	s7 =	simm.s32 @p2 $0x1082  }
0x22: {  	[simem:s7], [sflag:s8] =	dma.local @!p0 [hbm:s6], $0xF7A  }
0x23: {  	s9 =	sor.u32 $0xD0000000, s2;
	s6 =	simm.s32 $0x108;
	_ =	swait.ge @!p0 [sflag:s8], $0x0  }
0x24: {  	s3 =	sadd.s32 $0x88, s3;
	s6 =	simm.s32 @!p1 $0x1082;
	[sflag:s4] =	ssyncset.s32 $0xFFFFF086  }
0x25: {  	[simem:s6], [sflag:s4] =	dma.local [hbm:s3], $0xF7A  }
0x26: {  	[smem:$0x3F9B] =	sst s1;
	(tag) =	ssettag s2;
	_ =	strace s9  }
0x27: {  	s1 =	sld [smem:$0x3FAB]  }
0x28: {  	s2 =	sld [smem:$0x3FAC]  }
0x29: {  	s4 =	sld [smem:$0x3FAE]  }
0x2a: {  	p0 =	seq.s32 s5, $0x0;
	s5 =	sld [smem:$0x3FAF]  }
0x2b: {  	s6 =	sld [smem:$0x3FB0]  }
0x2c: {  	s7 =	sld [smem:$0x3FB1]  }
0x2d: {  	s3 =	simm.s32 $0x108;
	s8 =	sld [smem:$0x3FB2]  }
0x2e: {  	s3 =	simm.s32 @!p0 $0x1082;
	s9 =	sld [smem:$0x3FB3]  }
0x2f: {  	lr =	sadd.s32 s0, s3;
	s0 =	sld [smem:$0x3FAA]  }
0x30: {  	s3 =	sld [smem:$0x3FAD]  }
0x31: {  	[smem:$0x3FB6] =	sst s10  }
0x32: {  	s10 =	sld [smem:$0x3FB4];
	_ =	sdelay $0x3  }
0x33: {  	p0 =	seq.s32 s10, $0x1;
	s10 =	sld [smem:$0x3FB6];
	_ =	sdelay $0x3  }
0x34: {  	[smem:$0x3FB6] =	sst s10  }
0x35: {  	s10 =	sld [smem:$0x3FB5];
	_ =	sdelay $0x3  }
0x36: {  	p1 =	seq.s32 s10, $0x1;
	s10 =	sld [smem:$0x3FB6];
	_ =	sdelay $0x3  }
0x37: {  	[smem:$0x3FB6] =	sst s10  }
0x38: {  	s10 =	sld [smem:$0x3FB7]  }
0x39: {  	_ = 	snop;
	(pc) =	sbr.ind lr, $3  }
0x3a: {  	_ = 	snop  }
0x3b: {  	_ = 	snop  }
0x3c: {  	p2 =	seq.s32 s10, $0x1;
	s10 =	sld [smem:$0x3FB6]  }
0x3d: {  	_ =	shalt  }
0x3e: {  	_ =	shalt  }
0x3f: {  	_ =	shalt  }
0x40: {  	_ =	shalt  }
0x41: {  	_ =	shalt  }
0x42: {  	_ =	shalt  }
0x43: {  	_ =	shalt  }
0x44: {  	_ =	shalt  }
0x45: {  	_ =	shalt  }
0x46: {  	_ =	shalt  }
0x47: {  	_ =	shalt  }
0x48: {  	_ =	shalt  }
0x49: {  	_ =	shalt  }
0x4a: {  	_ =	shalt  }
0x4b: {  	_ =	shalt  }
0x4c: {  	_ =	shalt  }
0x4d: {  	_ =	shalt  }
0x4e: {  	_ =	shalt  }
0x4f: {  	_ =	shalt  }
0x50: {  	_ =	shalt  }
0x51: {  	_ =	shalt  }
0x52: {  	_ =	shalt  }
0x53: {  	_ =	shalt  }
0x54: {  	_ =	shalt  }
0x55: {  	_ =	shalt  }
0x56: {  	_ =	shalt  }
0x57: {  	_ =	shalt  }
0x58: {  	_ =	shalt  }
0x59: {  	_ =	shalt  }
0x5a: {  	_ =	shalt  }
0x5b: {  	_ =	shalt  }
0x5c: {  	_ =	shalt  }
0x5d: {  	_ =	shalt  }
0x5e: {  	_ =	shalt  }
0x5f: {  	_ =	shalt  }
0x60: {  	_ =	shalt  }
0x61: {  	_ =	shalt  }
0x62: {  	_ =	shalt  }
0x63: {  	_ =	shalt  }
0x64: {  	_ =	shalt  }
0x65: {  	_ =	shalt  }
0x66: {  	_ =	shalt  }
0x67: {  	_ =	shalt  }
0x68: {  	_ =	shalt  }
0x69: {  	_ =	shalt  }
0x6a: {  	_ =	shalt  }
0x6b: {  	_ =	shalt  }
0x6c: {  	_ =	shalt  }
0x6d: {  	_ =	shalt  }
0x6e: {  	_ =	shalt  }
0x6f: {  	_ =	shalt  }
0x70: {  	_ =	shalt  }
0x71: {  	_ =	shalt  }
0x72: {  	_ =	shalt  }
0x73: {  	_ =	shalt  }
0x74: {  	_ =	shalt  }
0x75: {  	_ =	shalt  }
0x76: {  	_ =	shalt  }
0x77: {  	_ =	shalt  }
0x78: {  	_ =	shalt  }
0x79: {  	_ =	shalt  }
0x7a: {  	_ =	shalt  }
0x7b: {  	_ =	shalt  }
0x7c: {  	_ =	shalt  }
0x7d: {  	_ =	shalt  }
0x7e: {  	_ =	shalt  }
0x7f: {  	_ =	shalt  }
0x80: {  	_ =	shalt  }
0x81: {  	_ =	shalt  }
0x82: {  	_ =	shalt  }
0x83: {  	_ =	shalt  }
0x84: {  	_ =	shalt  }
0x85: {  	_ =	shalt  }
0x86: {  	_ =	shalt  }
0x87: {  	_ =	shalt  }
.Lfunc_end0:
.L_simem_size_0:
called_computation.1_lowered:
.L_overlay_start_0:
0x88: {  	s2 =	sld [smem:$0x3FD9]  }
0x89: {  	s3 =	sld [smem:$0x3FFE];
	_ =	sdelay $0x1  }
0x8a: {  	s1 =	srdreg.scid  }
0x8b: {  	s0 =	sand.u32 $0x1, s1  }
0x8c: {  	s17 =	sshll.u32 s0, $0xA;
	s2 =	sadd.s32 s3, s2  }
0x8d: {  	s2 =	sadd.s32 s2, s17  }
0x8e: {  	[smem:$0x3FC2] =	sst s2  }
0x8f: {  	_ = 	snop  }
0x90: {  	s2 =	sld [smem:$0x3FD0];
	(tm) =	ssettm $0x1  }
0x91: {  	s18 =	sld [smem:$0x3FFB];
	_ =	sdelay $0x3  }
0x92: {  	_ =	strace s18  }
0x93: {  	s3 =	sld [smem:$0x3FFC];
	_ =	sdelay $0x3  }
0x94: {  	_ =	strace s3  }
0x95: {  	s3 =	sld [smem:$0x3FFD];
	_ =	sdelay $0x3  }
0x96: {  	_ =	strace s3  }
0x97: {  	_ =	strace $0x8FFFFFFF  }
0x98: {  	s19 =	sld [smem:$0x3FDB];
	_ =	sdelay $0x1  }
0x99: {  	s4 =	simm.s32 $_scs_section_size  }
0x9a: {  	s5 =	simm.s32 $_size__tile_overlayer_lowered;
	s6 =	simm.s32 $_tile_overlayer_lowered  }
0x9b: {  	s22 =	simm.s32 $0x1BFF;
	s21 =	sshll.u32 s6, $0x1;
	s3 =	sadd.s32 s4, s19  }
0x9c: {  	s7 =	simm.s32 $0x0;
	s20 =	sshll.u32 s5, $0x1;
	s5 =	sadd.s32 s21, s3  }
0x9d: {  	[timem:s7], [sflag:s22] =	dma.local [hbm:s5], s20  }
0x9e: {  	_ =	swait.ge [sflag:s22], s20  }
0x9f: {  	s4 =	ssub.s32 $0x0, s20;
	[sflag:s22] =	ssyncset.done $0x0  }
0xa0: {  	[sflag:s22] =	ssyncadd.s32 s4;
	_ =	sdelay $0x1  }
0xa1: {  	s23 =	simm.s32 $0x1B8B  }
0xa2: {  	_ =	swait.ge [sflag:s23], $0x1  }
0xa3: {  	[sflag:s23] =	ssyncset.done $0x0  }
0xa4: {  	s25 =	simm.s32 $0x1B8E;
	s24 =	sld [smem:$0x3FFE];
	[sflag:s23] =	ssyncadd.s32 $0xFFFFFFFF  }
0xa5: {  	s26 =	simm.s32 $execute0_lowered;
	[smem:$0x3FD2] =	sst s25  }
0xa6: {  	s5 =	sshll.u32 s26, $0x1;
	_ =	strace $0x80000049;
	[dreg:$0x1] =	wrdreg $0xFFFFFFFF  }
0xa7: {  	s28 =	simm.s32 $_size_execute0_lowered;
	s3 =	sadd.s32 s3, s5;
	[dreg:$0x0] =	wrdreg $0x0  }
0xa8: {  	s5 =	sshll.u32 s28, $0x1;
	[dreg:$0x2] =	wrdreg s3  }
0xa9: {  	[dreg:$0x3] =	wrdreg s5  }
0xaa: {  	[dreg:$0x4] =	wrdreg $0xC0  }
0xab: {  	_ =	task [dreg:s7], $0x5FFFF  }
0xac: {  	[dreg:$0x1] =	wrdreg $0xFFFFFFFF  }
0xad: {  	[dreg:$0x0] =	wrdreg $0x60  }
0xae: {  	[dreg:$0x2] =	wrdreg s2  }
0xaf: {  	[dreg:$0x3] =	wrdreg s24  }
0xb0: {  	[dreg:$0x4] =	wrdreg $0xAE000  }
0xb1: {  	[dreg:$0x5] =	wrdreg $0x9  }
0xb2: {  	_ =	task.clear_ibuf [dreg:s7], $0x6FFFF;
	_ =	strace $0x90000049  }
0xb3: {  	s29 =	simm.s32 $0x9;
	_ =	strace $0x8000004B  }
0xb4: {  	_ =	swait.ge [sflag:s29], $0x1  }
0xb5: {  	[sflag:s29] =	ssyncadd.s32 $0xFFFFFFFF  }
0xb6: {  	_ =	strace $0x9000004B  }
0xb7: {  	_ =	sfence  }
0xb8: {  	s30 =	sld [smem:$0x0];
	_ =	sdelay $0x2  }
0xb9: {  	s31 =	sshll.u32 s1, $0xD;
	s1 =	sshrl.u32 s1, $0x2  }
0xba: {  	s3 =	sand.u32 $0x4000, s31;
	s1 =	sadd.s32 s1, s30  }
0xbb: {  	s0 =	sor.u32 s3, s0;
	s1 =	sshll.u32 s1, $0x11  }
0xbc: {  	s0 =	sor.u32 s1, s0  }
0xbd: {  	s0 =	sadd.s32 $0x8F2B, s0  }
0xbe: {  	[sflag:s0] =	ssyncadd.remote.s32 $0x1  }
0xbf: {  	_ =	sfence.sel $0xFFFF  }
0xc0: {  	[dreg:$0x0] =	wrdreg $0xFFFFFFFF;
	(pc) =	sbr.abs _section_cstart, $3  }
0xc1: {  	[dreg:$0x1] =	wrdreg $0xFFFFFFFF  }
0xc2: {  	_ =	task.clear_ibuf [dreg:s7], $0x2FFFF;
	_ =	strace $0x9FFFFFFF  }
0xc3: {  	(tm) =	ssettm $0x7FFFFFFF  }
tec
execute0_lowered:
.L_overlay_start_1:
0x0: {  	(tag) =	ssettag $0x1  }
0x1: {  	s0 =	srdreg.scid;
	s2 =	rddreg [dreg:$0x0]  }
0x2: {  	s10 =	stileid.u32;
	s6 =	rddreg [dreg:$0x1]  }
0x3: {  	s3 =	rddreg [dreg:$0x2];
	s4 =	simm.s32 $0x0;
	s11 =	simm.s32 $0x8  }
0x4: {  	s12 =	simm.s32 $0x70;
	s13 =	simm.s32 $0x600;
	s15 =	simm.s32 $0x3E00  }
0x5: {  	s16 =	simm.s32 $0x1;
	s19 =	simm.s32 $0x300;
	s21 =	simm.s32 $0x7600  }
0x6: {  	s28 =	simm.s32 $0x5;
	s29 =	simm.s32 $0x400;
	s30 =	simm.s32 $0x6  }
0x7: {  	s31 =	simm.s32 $0x2;
	s0 =	sand.u32 $0x1, s0;
	s7 =	smul.u32 $0x14000, s10  }
0x8: {  	[smem:$0x7FF] =	sst s4;
	s8 =	smul.u32 $0x50000, s10;
	s25 =	sshll.u32 s10, $0x6  }
0x9: {  	s1 =	sshll.u32 s0, $0x4;
	s5 =	smul.u32 $0x140000, s0;
	s0 =	ssub.s32 $0x2, s0  }
0xa: {  	_ =	strace $0x8000004A;
	s1 =	sor.u32 s10, s1;
	s23 =	sshrl.u32 s0, $0x1  }
0xb: {  	s24 =	sshrl.u32 s8, $0x2;
	s1 =	smul.u32 $0xB40, s1;
	s5 =	sadd.s32 s7, s5  }
0xc: {  	s0 =	ssub.s32 s0, s23;
	s26 =	sadd.s32 s24, s3;
	s23 =	simm.s32 $0x4  }
.Ltmp0:
0xd: {  	s24 =	simm.s32 $0x7;
	s7 =	sshrl.u32 s5, $0x3;
	(pc) =	sbr.rel .LBB2_1-.Ltmp0, $4  }
0xe: {  	s5 =	sadd.s32 $0x69200, s6;
	s10 =	sshrl.u32 s26, $0x3;
	s26 =	simm.s32 $0x280  }
0xf: {  	s1 =	sadd.s32 s1, s6;
	s9 =	sadd.s32 s7, s6;
	s6 =	sor.u32 $0x1C08, s25  }
0x10: {  	s25 =	simm.s32 $0x3;
	s7 =	sadd.s32 $0x2A00, s1;
	s8 =	sadd.s32 $0x6BA00, s9  }
0x11: {  	s9 =	smax.u32 s0, $0x1;
	s1 =	simm.s32 $0x0;
	s18 =	sadd.s32 $0x60, s7  }
.LBB2_3:
0x12: {  	s0 =	sadd.s32 $0x200, s17  }
0x13: {  	[tilespmem:s21], [sflag:$0x3] =	stream.indirect.gather [hbm4b:s2+s12], $0x80, s0, s12, $0xb8;
	[tilespmem:$0x1EE00] =	vst v63  }
0x14: {  	_ =	swait.ge [sflag:s31], $0x3800  }
0x15: {  	[sflag:s31] =	ssyncset.done $0x0  }
0x16: {  	s20 =	sadd.s32 $0x180, s17;
	[sflag:s31] =	ssyncadd.s32 $0xFFFFC800  }
0x17: {  	[spmem:s3] =	stream.indirect.scatter.add.f32 [tilespmem:s15], [sflag:$0x5], $0x80, s20, s12, $0xb8;
	[tilespmem:$0x1EE00] =	vst v63  }
0x18: {  	_ =	swait.ge [sflag:s23], $0x3800  }
0x19: {  	[sflag:s23] =	ssyncset.done $0x0  }
0x1a: {  	[sflag:s23] =	ssyncadd.s32 $0xFFFFC800  }
0x1b: {  	_ =	swait.ge [sflag:s25], $0x3800  }
0x1c: {  	[sflag:s25] =	ssyncset.done $0x0  }
0x1d: {  	s22 =	sadd.s32 $0x280, s17;
	[sflag:s25] =	ssyncadd.s32 $0xFFFFC800  }
0x1e: {  	[spmem:s3] =	stream.indirect.scatter.add.f32 [tilespmem:s21], [sflag:$0x6], $0x80, s22, s12, $0xb8;
	[tilespmem:$0x1EE00] =	vst v63  }
0x1f: {  	_ =	swait.ge [sflag:s28], $0x3800  }
0x20: {  	[sflag:s28] =	ssyncset.done $0x0  }
0x21: {  	[sflag:s28] =	ssyncadd.s32 $0xFFFFC800  }
.LBB2_5:
0x22: {  	_ =	swait.ge [sflag:s30], $0x3800  }
0x23: {  	s1 =	sadd.s32 $0x1, s1;
	[sflag:s30] =	ssyncset.done $0x0  }
0x24: {  	p0 =	sne.s32 s1, s9;
	[sflag:s30] =	ssyncadd.s32 $0xFFFFC800  }
.Ltmp1:
0x25: {  	[bflag:$0x0] =	sbarrier.arrive $0xFFFF;
	(pc) =	sbr.rel @!p0 .LBB2_6-.Ltmp1, $4  }
0x26: {  	[hbm:s8], [sflag:s6] =	dma.local [spmem:s10], $0x2800  }
0x27: {  	_ =	swait.ge [sflag:s11], $0x2800  }
0x28: {  	[sflag:s11] =	ssyncset.done $0x0  }
0x29: {  	[sflag:s11] =	ssyncadd.s32 $0xFFFFD800  }
.LBB2_1:
0x2a: {  	[spmem:s10], [sflag:s6] =	dma.local [hbm:s5], $0x2800  }
0x2b: {  	_ =	swait.ge [sflag:s11], $0x2800  }
0x2c: {  	[sflag:s11] =	ssyncset.done $0x0  }
0x2d: {  	[sflag:s11] =	ssyncadd.s32 $0xFFFFD800  }
0x2e: {  	[tilespmem:s4], [sflag:$0x8] =	stream.linear.gather [hbm4b:s7+s4], $0x300, $0x38;
	[tilespmem:$0x1EE00] =	vst v63  }
0x2f: {  	_ =	swait.ge [sflag:s11], $0x300  }
0x30: {  	[sflag:s11] =	ssyncset.done $0x0  }
0x31: {  	[sflag:s11] =	ssyncadd.s32 $0xFFFFFD00  }
0x32: {  	[bflag:$0x0] =	sbarrier.arrive $0xFFFF  }
0x33: {  	[tilespmem:s13], [sflag:$0x1] =	stream.indirect.gather [hbm4b:s2+s12], $0x80, s4, s12, $0xb8;
	[tilespmem:$0x1EE00] =	vst v63  }
0x34: {  	s0 =	simm.s32 $0x100  }
0x35: {  	[tilespmem:s15], [sflag:$0x2] =	stream.indirect.gather [hbm4b:s2+s12], $0x80, s0, s12, $0xb8;
	[tilespmem:$0x1EE00] =	vst v63  }
0x36: {  	_ =	swait.ge [sflag:s16], $0x3800  }
0x37: {  	[sflag:s16] =	ssyncset.done $0x0  }
0x38: {  	s17 =	simm.s32 $0x80;
	[sflag:s16] =	ssyncadd.s32 $0xFFFFC800  }
0x39: {  	[spmem:s3] =	stream.indirect.scatter.add.f32 [tilespmem:s13], [sflag:$0x4], $0x80, s17, s12, $0xb8;
	[tilespmem:$0x1EE00] =	vst v63  }
0x3a: {  	_ = 	snop  }
0x3b: {  	[tilespmem:s19], [sflag:$0x7] =	stream.linear.gather [hbm4b:s18+s4], $0x300, $0x38;
	[tilespmem:$0x1EE00] =	vst v63  }
0x3c: {  	s20 =	simm.s32 $0x200  }
0x3d: {  	[tilespmem:s21], [sflag:$0x3] =	stream.indirect.gather [hbm4b:s2+s12], $0x80, s20, s12, $0xb8;
	[tilespmem:$0x1EE00] =	vst v63  }
0x3e: {  	_ =	swait.ge [sflag:s31], $0x3800  }
0x3f: {  	[sflag:s31] =	ssyncset.done $0x0  }
0x40: {  	s22 =	simm.s32 $0x180;
	[sflag:s31] =	ssyncadd.s32 $0xFFFFC800  }
0x41: {  	[spmem:s3] =	stream.indirect.scatter.add.f32 [tilespmem:s15], [sflag:$0x5], $0x80, s22, s12, $0xb8;
	[tilespmem:$0x1EE00] =	vst v63  }
0x42: {  	_ =	swait.ge [sflag:s23], $0x3800  }
0x43: {  	[sflag:s23] =	ssyncset.done $0x0  }
0x44: {  	[sflag:s23] =	ssyncadd.s32 $0xFFFFC800  }
0x45: {  	_ =	swait.ge [sflag:s24], $0x300  }
0x46: {  	[sflag:s24] =	ssyncset.done $0x0  }
0x47: {  	[sflag:s24] =	ssyncadd.s32 $0xFFFFFD00  }
0x48: {  	[tilespmem:s13], [sflag:$0x1] =	stream.indirect.gather [hbm4b:s2+s12], $0x80, s19, s12, $0xb8;
	[tilespmem:$0x1EE00] =	vst v63  }
0x49: {  	_ =	swait.ge [sflag:s25], $0x3800  }
0x4a: {  	[sflag:s25] =	ssyncset.done $0x0  }
0x4b: {  	[sflag:s25] =	ssyncadd.s32 $0xFFFFC800  }
0x4c: {  	[spmem:s3] =	stream.indirect.scatter.add.f32 [tilespmem:s21], [sflag:$0x6], $0x80, s26, s12, $0xb8;
	[tilespmem:$0x1EE00] =	vst v63  }
0x4d: {  	_ =	swait.ge [sflag:s28], $0x3800  }
0x4e: {  	[sflag:s28] =	ssyncset.done $0x0  }
0x4f: {  	s14 =	simm.s32 $0x2;
	s0 =	sadd.s32 $0xC0, s7;
	[sflag:s28] =	ssyncadd.s32 $0xFFFFC800  }
0x50: {  	[tilespmem:s15], [sflag:$0x2] =	stream.indirect.gather [hbm4b:s2+s12], $0x80, s29, s12, $0xb8;
	[tilespmem:$0x1EE00] =	vst v63  }
.LBB2_2:
0x51: {  	s17 =	sand.u32 $0x1, s14  }
0x52: {  	_ =	swait.ge [sflag:s16], $0x3800;
	p0 =	seq.s32 s17, $0x1;
	s17 =	simm.s32 $0x0  }
0x53: {  	p1 =	sne.s32 s14, $0x1E;
	[sflag:s16] =	ssyncset.done $0x0;
	s17 =	simm.s32 @!p0 $0x300  }
.Ltmp2:
0x54: {  	[sflag:s16] =	ssyncadd.s32 $0xFFFFC800;
	s20 =	sor.u32 $0x80, s17;
	(pc) =	sbr.rel @!p1 .LBB2_3-.Ltmp2, $4  }
0x55: {  	[spmem:s3] =	stream.indirect.scatter.add.f32 [tilespmem:s13], [sflag:$0x4], $0x80, s20, s12, $0xb8;
	[tilespmem:$0x1EE00] =	vst v63  }
0x56: {  	_ =	swait.ge [sflag:s30], $0x3800  }
0x57: {  	[sflag:s30] =	ssyncset.done $0x0  }
0x58: {  	[sflag:s30] =	ssyncadd.s32 $0xFFFFC800  }
0x59: {  	s20 =	simm.s32 $0x300  }
0x5a: {  	s20 =	simm.s32 @!p0 $0x0  }
0x5b: {  	[tilespmem:s20], [sflag:$0x7] =	stream.linear.gather [hbm4b:s0+s4], $0x300, $0x38;
	[tilespmem:$0x1EE00] =	vst v63  }
0x5c: {  	s22 =	sadd.s32 $0x200, s17  }
0x5d: {  	[tilespmem:s21], [sflag:$0x3] =	stream.indirect.gather [hbm4b:s2+s12], $0x80, s22, s12, $0xb8;
	[tilespmem:$0x1EE00] =	vst v63  }
0x5e: {  	_ =	swait.ge [sflag:s31], $0x3800  }
0x5f: {  	[sflag:s31] =	ssyncset.done $0x0  }
0x60: {  	s22 =	sadd.s32 $0x180, s17;
	[sflag:s31] =	ssyncadd.s32 $0xFFFFC800  }
0x61: {  	[spmem:s3] =	stream.indirect.scatter.add.f32 [tilespmem:s15], [sflag:$0x5], $0x80, s22, s12, $0xb8;
	[tilespmem:$0x1EE00] =	vst v63  }
0x62: {  	_ =	swait.ge [sflag:s23], $0x3800  }
0x63: {  	[sflag:s23] =	ssyncset.done $0x0  }
0x64: {  	[sflag:s23] =	ssyncadd.s32 $0xFFFFC800  }
0x65: {  	_ =	swait.ge [sflag:s24], $0x300  }
0x66: {  	[sflag:s24] =	ssyncset.done $0x0  }
0x67: {  	[sflag:s24] =	ssyncadd.s32 $0xFFFFFD00  }
0x68: {  	[tilespmem:s13], [sflag:$0x1] =	stream.indirect.gather [hbm4b:s2+s12], $0x80, s20, s12, $0xb8;
	[tilespmem:$0x1EE00] =	vst v63  }
0x69: {  	_ =	swait.ge [sflag:s25], $0x3800  }
0x6a: {  	s14 =	sadd.s32 $0x1, s14;
	[sflag:s25] =	ssyncset.done $0x0  }
0x6b: {  	p0 =	sne.s32 s14, $0x1F;
	s22 =	sadd.s32 $0x280, s17;
	[sflag:s25] =	ssyncadd.s32 $0xFFFFC800  }
0x6c: {  	[spmem:s3] =	stream.indirect.scatter.add.f32 [tilespmem:s21], [sflag:$0x6], $0x80, s22, s12, $0xb8;
	[tilespmem:$0x1EE00] =	vst v63  }
.Ltmp3:
0x6d: {  	_ = 	snop;
	(pc) =	sbr.rel @p0 .LBB2_2-.Ltmp3, $4  }
.Ltmp4:
0x6e: {  	_ =	swait.ge [sflag:s28], $0x3800;
	(pc) =	sbr.rel @!p0 .LBB2_5-.Ltmp4, $4  }
0x6f: {  	[sflag:s28] =	ssyncset.done $0x0  }
0x70: {  	s0 =	sadd.s32 $0x60, s0;
	s22 =	sadd.s32 $0x100, s20;
	[sflag:s28] =	ssyncadd.s32 $0xFFFFC800  }
0x71: {  	[tilespmem:s15], [sflag:$0x2] =	stream.indirect.gather [hbm4b:s2+s12], $0x80, s22, s12, $0xb8;
	[tilespmem:$0x1EE00] =	vst v63  }
0x72: {  	_ = 	snop  }
.LBB2_6:
0x73: {  	_ =	sfence.sel $0x180000  }
0x74: {  	[bflag:$0x0] =	sbarrier.arrive $0xFFFF  }
0x75: {  	_ =	strace $0x9000004A  }
0x76: {  	s0 =	stileid.u32;
	[bflag:$0x2] =	sbarrier.arrive $0xFFFF  }
0x77: {  	p0 =	sne.s32 s0, $0x0;
	s0 =	rddreg [dreg:$0x3]  }
0x78: {  	s0 =	sadd.s32 @!p0 $0x100000, s0  }
0x79: {  	[sflag:s0] =	ssyncadd.tile.s32 @!p0 $0x1;
	_ =	shalt  }
.Lfunc_end2:
_tile_overlayer_lowered:
.L_overlay_start_2:
0x7a: {  	(tag) =	ssettag $0x2  }
0x7b: {  	s0 =	rddreg [dreg:$0x0];
	s2 =	stileid.u32  }
0x7c: {  	s1 =	rddreg [dreg:$0x1];
	p0 =	sne.s32 s2, $0x0  }
0x7d: {  	s3 =	rddreg [dreg:$0x2];
	[bflag:$0x3] =	sbarrier.arrive $0xFFFF;
	s2 =	simm.s32 @!p0 $0x1C08  }
0x7e: {  	[timem:s3], [sflag:s2] =	dma.local @!p0 [hbm:s0], s1  }
0x7f: {  	s0 =	simm.s32 @!p0 $0x8  }
0x80: {  	_ =	swait.ge @!p0 [sflag:s0], s1  }
0x81: {  	s1 =	ssub.s32 @!p0 $0x0, s1;
	[sflag:s0] =	ssyncset.done @!p0 $0x0  }
0x82: {  	[sflag:s0] =	ssyncadd.s32 @!p0 s1  }
0x83: {  	[bflag:$0x3] =	sbarrier.arrive $0xFFFF  }
0x84: {  	_ =	shalt  }

// kernel: kernel.14.cloned.1.call-start
scs
__scs_entry_jumppad:
0x0: {  	(pc) =	sbr.rel $0x88, $3  }
0x1: {  	(tag) =	ssettag $0x0;
	lr =	simm.s32 $0x1  }
0x2: {  	[smem:$0x3F9B] =	sst lr;
	_ =	strace $0xD0000000  }
0x3: {  	_ = 	snop  }
0x4: {  	_ = 	snop  }
0x5: {  	_ = 	snop  }
0x6: {  	_ = 	snop  }
0x7: {  	_ = 	snop  }
__scs_overlays_trampoline_lowered:
0x8: {  	[smem:$0x3FAA] =	sst s0  }
0x9: {  	[smem:$0x3FAB] =	sst s1  }
0xa: {  	[smem:$0x3FAC] =	sst s2  }
0xb: {  	[smem:$0x3FAD] =	sst s3  }
0xc: {  	[smem:$0x3FAE] =	sst s4  }
0xd: {  	[smem:$0x3FAF] =	sst s5  }
0xe: {  	[smem:$0x3FB0] =	sst s6  }
0xf: {  	[smem:$0x3FB1] =	sst s7  }
0x10: {  	[smem:$0x3FB2] =	sst s8  }
0x11: {  	[smem:$0x3FB3] =	sst s9;
	s0 =	simm.s32 @!p0 $0x0  }
0x12: {  	s1 =	sld [smem:$0x3F99];
	s0 =	simm.s32 @p0 $0x1  }
0x13: {  	[smem:$0x3FB4] =	sst s0;
	s0 =	simm.s32 @!p1 $0x0  }
0x14: {  	s2 =	sld [smem:$0x3F98];
	s0 =	simm.s32 @p1 $0x1  }
0x15: {  	[smem:$0x3FB5] =	sst s0;
	s0 =	simm.s32 @!p2 $0x0  }
0x16: {  	s3 =	sld [smem:$0x3FDB];
	s0 =	simm.s32 @p2 $0x1  }
0x17: {  	s4 =	simm.s32 $0x1BF5;
	[smem:$0x3FB7] =	sst s0  }
0x18: {  	s0 =	sld [smem:$0x3F9A];
	_ =	swait.ge [sflag:s4], $0x0  }
0x19: {  	s7 =	sld [smem:$0x3F9B]  }
0x1a: {  	s8 =	sadd.s32 $0xFFFFE003, lr  }
0x1b: {  	s9 =	sadd.s32 $0xFFFFFEF7, lr;
	s5 =	simm.s32 $0xFFFFFFFF;
	p2 =	slt.u32 s8, $0xFFFFF086  }
0x1c: {  	p1 =	slt.u32 s9, $0xF7A;
	s5 =	simm.s32 @!p2 $0x0  }
0x1d: {  	s5 =	simm.s32 @p1 $0x1;
	p0 =	seq.s32 s7, s2  }
0x1e: {  	s7 =	smul.u32 @!p0 $0xF7A, s2;
	p2 =	seq.s32 @!p0 s5, $0x0  }
0x1f: {  	s9 =	smul.u32 $0xF7A, s1;
	s8 =	simm.s32 @!p0 $0x1BF5;
	p2 =	por !p2, p0  }
0x20: {  	[sflag:s8] =	ssyncset.s32 @!p0 $0xFFFFF086;
	s6 =	sadd.s32 @!p0 s3, s7;
	s7 =	simm.s32 @!p0 $0x108  }
0x21: {  	s3 =	sadd.s32 s3, s9;
	s6 =	sadd.s32 @!p0 $0x88, s6;
	s7 =	simm.s32 @p2 $0x1082  }
0x22: {  	[simem:s7], [sflag:s8] =	dma.local @!p0 [hbm:s6], $0xF7A  }
0x23: {  	s9 =	sor.u32 $0xD0000000, s2;
	s6 =	simm.s32 $0x108;
	_ =	swait.ge @!p0 [sflag:s8], $0x0  }
0x24: {  	s3 =	sadd.s32 $0x88, s3;
	s6 =	simm.s32 @!p1 $0x1082;
	[sflag:s4] =	ssyncset.s32 $0xFFFFF086  }
0x25: {  	[simem:s6], [sflag:s4] =	dma.local [hbm:s3], $0xF7A  }
0x26: {  	[smem:$0x3F9B] =	sst s1;
	(tag) =	ssettag s2;
	_ =	strace s9  }
0x27: {  	s1 =	sld [smem:$0x3FAB]  }
0x28: {  	s2 =	sld [smem:$0x3FAC]  }
0x29: {  	s4 =	sld [smem:$0x3FAE]  }
0x2a: {  	p0 =	seq.s32 s5, $0x0;
	s5 =	sld [smem:$0x3FAF]  }
0x2b: {  	s6 =	sld [smem:$0x3FB0]  }
0x2c: {  	s7 =	sld [smem:$0x3FB1]  }
0x2d: {  	s3 =	simm.s32 $0x108;
	s8 =	sld [smem:$0x3FB2]  }
0x2e: {  	s3 =	simm.s32 @!p0 $0x1082;
	s9 =	sld [smem:$0x3FB3]  }
0x2f: {  	lr =	sadd.s32 s0, s3;
	s0 =	sld [smem:$0x3FAA]  }
0x30: {  	s3 =	sld [smem:$0x3FAD]  }
0x31: {  	[smem:$0x3FB6] =	sst s10  }
0x32: {  	s10 =	sld [smem:$0x3FB4];
	_ =	sdelay $0x3  }
0x33: {  	p0 =	seq.s32 s10, $0x1;
	s10 =	sld [smem:$0x3FB6];
	_ =	sdelay $0x3  }
0x34: {  	[smem:$0x3FB6] =	sst s10  }
0x35: {  	s10 =	sld [smem:$0x3FB5];
	_ =	sdelay $0x3  }
0x36: {  	p1 =	seq.s32 s10, $0x1;
	s10 =	sld [smem:$0x3FB6];
	_ =	sdelay $0x3  }
0x37: {  	[smem:$0x3FB6] =	sst s10  }
0x38: {  	s10 =	sld [smem:$0x3FB7]  }
0x39: {  	_ = 	snop;
	(pc) =	sbr.ind lr, $3  }
0x3a: {  	_ = 	snop  }
0x3b: {  	_ = 	snop  }
0x3c: {  	p2 =	seq.s32 s10, $0x1;
	s10 =	sld [smem:$0x3FB6]  }
0x3d: {  	_ =	shalt  }
0x3e: {  	_ =	shalt  }
0x3f: {  	_ =	shalt  }
0x40: {  	_ =	shalt  }
0x41: {  	_ =	shalt  }
0x42: {  	_ =	shalt  }
0x43: {  	_ =	shalt  }
0x44: {  	_ =	shalt  }
0x45: {  	_ =	shalt  }
0x46: {  	_ =	shalt  }
0x47: {  	_ =	shalt  }
0x48: {  	_ =	shalt  }
0x49: {  	_ =	shalt  }
0x4a: {  	_ =	shalt  }
0x4b: {  	_ =	shalt  }
0x4c: {  	_ =	shalt  }
0x4d: {  	_ =	shalt  }
0x4e: {  	_ =	shalt  }
0x4f: {  	_ =	shalt  }
0x50: {  	_ =	shalt  }
0x51: {  	_ =	shalt  }
0x52: {  	_ =	shalt  }
0x53: {  	_ =	shalt  }
0x54: {  	_ =	shalt  }
0x55: {  	_ =	shalt  }
0x56: {  	_ =	shalt  }
0x57: {  	_ =	shalt  }
0x58: {  	_ =	shalt  }
0x59: {  	_ =	shalt  }
0x5a: {  	_ =	shalt  }
0x5b: {  	_ =	shalt  }
0x5c: {  	_ =	shalt  }
0x5d: {  	_ =	shalt  }
0x5e: {  	_ =	shalt  }
0x5f: {  	_ =	shalt  }
0x60: {  	_ =	shalt  }
0x61: {  	_ =	shalt  }
0x62: {  	_ =	shalt  }
0x63: {  	_ =	shalt  }
0x64: {  	_ =	shalt  }
0x65: {  	_ =	shalt  }
0x66: {  	_ =	shalt  }
0x67: {  	_ =	shalt  }
0x68: {  	_ =	shalt  }
0x69: {  	_ =	shalt  }
0x6a: {  	_ =	shalt  }
0x6b: {  	_ =	shalt  }
0x6c: {  	_ =	shalt  }
0x6d: {  	_ =	shalt  }
0x6e: {  	_ =	shalt  }
0x6f: {  	_ =	shalt  }
0x70: {  	_ =	shalt  }
0x71: {  	_ =	shalt  }
0x72: {  	_ =	shalt  }
0x73: {  	_ =	shalt  }
0x74: {  	_ =	shalt  }
0x75: {  	_ =	shalt  }
0x76: {  	_ =	shalt  }
0x77: {  	_ =	shalt  }
0x78: {  	_ =	shalt  }
0x79: {  	_ =	shalt  }
0x7a: {  	_ =	shalt  }
0x7b: {  	_ =	shalt  }
0x7c: {  	_ =	shalt  }
0x7d: {  	_ =	shalt  }
0x7e: {  	_ =	shalt  }
0x7f: {  	_ =	shalt  }
0x80: {  	_ =	shalt  }
0x81: {  	_ =	shalt  }
0x82: {  	_ =	shalt  }
0x83: {  	_ =	shalt  }
0x84: {  	_ =	shalt  }
0x85: {  	_ =	shalt  }
0x86: {  	_ =	shalt  }
0x87: {  	_ =	shalt  }
.Lfunc_end0:
.L_simem_size_0:
called_computation.2_lowered:
.L_overlay_start_0:
0x88: {  	s2 =	sld [smem:$0x3FD9]  }
0x89: {  	s3 =	sld [smem:$0x3FFE];
	_ =	sdelay $0x1  }
0x8a: {  	s1 =	srdreg.scid  }
0x8b: {  	s0 =	sand.u32 $0x1, s1  }
0x8c: {  	s17 =	sshll.u32 s0, $0xA;
	s2 =	sadd.s32 s3, s2  }
0x8d: {  	s2 =	sadd.s32 s2, s17  }
0x8e: {  	[smem:$0x3FC2] =	sst s2  }
0x8f: {  	_ = 	snop  }
0x90: {  	s2 =	sld [smem:$0x3FD0];
	(tm) =	ssettm $0x1  }
0x91: {  	s18 =	sld [smem:$0x3FFB];
	_ =	sdelay $0x3  }
0x92: {  	_ =	strace s18  }
0x93: {  	s3 =	sld [smem:$0x3FFC];
	_ =	sdelay $0x3  }
0x94: {  	_ =	strace s3  }
0x95: {  	s3 =	sld [smem:$0x3FFD];
	_ =	sdelay $0x3  }
0x96: {  	_ =	strace s3  }
0x97: {  	_ =	strace $0x8FFFFFFF  }
0x98: {  	s19 =	sld [smem:$0x3FDB];
	_ =	sdelay $0x1  }
0x99: {  	s4 =	simm.s32 $_scs_section_size  }
0x9a: {  	s5 =	simm.s32 $_size__tile_overlayer_lowered;
	s6 =	simm.s32 $_tile_overlayer_lowered  }
0x9b: {  	s22 =	simm.s32 $0x1BFF;
	s21 =	sshll.u32 s6, $0x1;
	s3 =	sadd.s32 s4, s19  }
0x9c: {  	s7 =	simm.s32 $0x0;
	s20 =	sshll.u32 s5, $0x1;
	s5 =	sadd.s32 s21, s3  }
0x9d: {  	[timem:s7], [sflag:s22] =	dma.local [hbm:s5], s20  }
0x9e: {  	_ =	swait.ge [sflag:s22], s20  }
0x9f: {  	s4 =	ssub.s32 $0x0, s20;
	[sflag:s22] =	ssyncset.done $0x0  }
0xa0: {  	[sflag:s22] =	ssyncadd.s32 s4;
	_ =	sdelay $0x1  }
0xa1: {  	s23 =	simm.s32 $0x1B8B  }
0xa2: {  	_ =	swait.ge [sflag:s23], $0x1  }
0xa3: {  	[sflag:s23] =	ssyncset.done $0x0  }
0xa4: {  	s25 =	simm.s32 $0x1B8E;
	s24 =	sld [smem:$0x3FFE];
	[sflag:s23] =	ssyncadd.s32 $0xFFFFFFFF  }
0xa5: {  	s26 =	simm.s32 $execute0_lowered;
	[smem:$0x3FD2] =	sst s25  }
0xa6: {  	s5 =	sshll.u32 s26, $0x1;
	_ =	strace $0x8000004C;
	[dreg:$0x1] =	wrdreg $0xFFFFFFFF  }
0xa7: {  	s28 =	simm.s32 $_size_execute0_lowered;
	s3 =	sadd.s32 s3, s5;
	[dreg:$0x0] =	wrdreg $0x0  }
0xa8: {  	s5 =	sshll.u32 s28, $0x1;
	[dreg:$0x2] =	wrdreg s3  }
0xa9: {  	[dreg:$0x3] =	wrdreg s5  }
0xaa: {  	[dreg:$0x4] =	wrdreg $0xC0  }
0xab: {  	_ =	task [dreg:s7], $0x5FFFF  }
0xac: {  	[dreg:$0x1] =	wrdreg $0xFFFFFFFF  }
0xad: {  	[dreg:$0x0] =	wrdreg $0x60  }
0xae: {  	[dreg:$0x2] =	wrdreg s2  }
0xaf: {  	[dreg:$0x3] =	wrdreg s24  }
0xb0: {  	[dreg:$0x4] =	wrdreg $0xAE000  }
0xb1: {  	[dreg:$0x5] =	wrdreg $0x9  }
0xb2: {  	_ =	task.clear_ibuf [dreg:s7], $0x6FFFF;
	_ =	strace $0x9000004C  }
0xb3: {  	s29 =	simm.s32 $0x9;
	_ =	strace $0x8000004E  }
0xb4: {  	_ =	swait.ge [sflag:s29], $0x1  }
0xb5: {  	[sflag:s29] =	ssyncadd.s32 $0xFFFFFFFF  }
0xb6: {  	_ =	strace $0x9000004E  }
0xb7: {  	_ =	sfence  }
0xb8: {  	s30 =	sld [smem:$0x0];
	_ =	sdelay $0x2  }
0xb9: {  	s31 =	sshll.u32 s1, $0xD;
	s1 =	sshrl.u32 s1, $0x2  }
0xba: {  	s3 =	sand.u32 $0x4000, s31;
	s1 =	sadd.s32 s1, s30  }
0xbb: {  	s0 =	sor.u32 s3, s0;
	s1 =	sshll.u32 s1, $0x11  }
0xbc: {  	s0 =	sor.u32 s1, s0  }
0xbd: {  	s0 =	sadd.s32 $0x8F2B, s0  }
0xbe: {  	[sflag:s0] =	ssyncadd.remote.s32 $0x1  }
0xbf: {  	_ =	sfence.sel $0xFFFF  }
0xc0: {  	[dreg:$0x0] =	wrdreg $0xFFFFFFFF;
	(pc) =	sbr.abs _section_cstart, $3  }
0xc1: {  	[dreg:$0x1] =	wrdreg $0xFFFFFFFF  }
0xc2: {  	_ =	task.clear_ibuf [dreg:s7], $0x2FFFF;
	_ =	strace $0x9FFFFFFF  }
0xc3: {  	(tm) =	ssettm $0x7FFFFFFF  }
tec
execute0_lowered:
.L_overlay_start_1:
0x0: {  	(tag) =	ssettag $0x1  }
0x1: {  	s0 =	srdreg.scid;
	s2 =	rddreg [dreg:$0x0]  }
0x2: {  	s10 =	stileid.u32;
	s6 =	rddreg [dreg:$0x1]  }
0x3: {  	s3 =	rddreg [dreg:$0x2];
	s4 =	simm.s32 $0x0;
	s11 =	simm.s32 $0x8  }
0x4: {  	s12 =	simm.s32 $0x70;
	s13 =	simm.s32 $0x600;
	s15 =	simm.s32 $0x3E00  }
0x5: {  	s16 =	simm.s32 $0x1;
	s19 =	simm.s32 $0x300;
	s21 =	simm.s32 $0x7600  }
0x6: {  	s28 =	simm.s32 $0x5;
	s29 =	simm.s32 $0x400;
	s30 =	simm.s32 $0x6  }
0x7: {  	s31 =	simm.s32 $0x2;
	s0 =	sand.u32 $0x1, s0;
	s7 =	smul.u32 $0x14000, s10  }
0x8: {  	[smem:$0x7FF] =	sst s4;
	s8 =	smul.u32 $0x50000, s10;
	s25 =	sshll.u32 s10, $0x6  }
0x9: {  	s1 =	sshll.u32 s0, $0x4;
	s5 =	smul.u32 $0x140000, s0;
	s0 =	ssub.s32 $0x2, s0  }
0xa: {  	_ =	strace $0x8000004D;
	s1 =	sor.u32 s10, s1;
	s23 =	sshrl.u32 s0, $0x1  }
0xb: {  	s24 =	sshrl.u32 s8, $0x2;
	s1 =	smul.u32 $0xB40, s1;
	s5 =	sadd.s32 s7, s5  }
0xc: {  	s0 =	ssub.s32 s0, s23;
	s26 =	sadd.s32 s24, s3;
	s23 =	simm.s32 $0x4  }
.Ltmp0:
0xd: {  	s24 =	simm.s32 $0x7;
	s7 =	sshrl.u32 s5, $0x3;
	(pc) =	sbr.rel .LBB2_1-.Ltmp0, $4  }
0xe: {  	s5 =	sadd.s32 $0x69200, s6;
	s10 =	sshrl.u32 s26, $0x3;
	s26 =	simm.s32 $0x280  }
0xf: {  	s1 =	sadd.s32 s1, s6;
	s9 =	sadd.s32 s7, s6;
	s6 =	sor.u32 $0x1C08, s25  }
0x10: {  	s25 =	simm.s32 $0x3;
	s7 =	sadd.s32 $0x2A00, s1;
	s8 =	sadd.s32 $0x6BA00, s9  }
0x11: {  	s9 =	smax.u32 s0, $0x1;
	s1 =	simm.s32 $0x0;
	s18 =	sadd.s32 $0x60, s7  }
.LBB2_3:
0x12: {  	s0 =	sadd.s32 $0x200, s17  }
0x13: {  	[tilespmem:s21], [sflag:$0x3] =	stream.indirect.gather [hbm4b:s2+s12], $0x80, s0, s12, $0xb8;
	[tilespmem:$0x1EE00] =	vst v63  }
0x14: {  	_ =	swait.ge [sflag:s31], $0x3800  }
0x15: {  	[sflag:s31] =	ssyncset.done $0x0  }
0x16: {  	s20 =	sadd.s32 $0x180, s17;
	[sflag:s31] =	ssyncadd.s32 $0xFFFFC800  }
0x17: {  	[spmem:s3] =	stream.indirect.scatter.add.f32 [tilespmem:s15], [sflag:$0x5], $0x80, s20, s12, $0xb8;
	[tilespmem:$0x1EE00] =	vst v63  }
0x18: {  	_ =	swait.ge [sflag:s23], $0x3800  }
0x19: {  	[sflag:s23] =	ssyncset.done $0x0  }
0x1a: {  	[sflag:s23] =	ssyncadd.s32 $0xFFFFC800  }
0x1b: {  	_ =	swait.ge [sflag:s25], $0x3800  }
0x1c: {  	[sflag:s25] =	ssyncset.done $0x0  }
0x1d: {  	s22 =	sadd.s32 $0x280, s17;
	[sflag:s25] =	ssyncadd.s32 $0xFFFFC800  }
0x1e: {  	[spmem:s3] =	stream.indirect.scatter.add.f32 [tilespmem:s21], [sflag:$0x6], $0x80, s22, s12, $0xb8;
	[tilespmem:$0x1EE00] =	vst v63  }
0x1f: {  	_ =	swait.ge [sflag:s28], $0x3800  }
0x20: {  	[sflag:s28] =	ssyncset.done $0x0  }
0x21: {  	[sflag:s28] =	ssyncadd.s32 $0xFFFFC800  }
.LBB2_5:
0x22: {  	_ =	swait.ge [sflag:s30], $0x3800  }
0x23: {  	s1 =	sadd.s32 $0x1, s1;
	[sflag:s30] =	ssyncset.done $0x0  }
0x24: {  	p0 =	sne.s32 s1, s9;
	[sflag:s30] =	ssyncadd.s32 $0xFFFFC800  }
.Ltmp1:
0x25: {  	[bflag:$0x0] =	sbarrier.arrive $0xFFFF;
	(pc) =	sbr.rel @!p0 .LBB2_6-.Ltmp1, $4  }
0x26: {  	[hbm:s8], [sflag:s6] =	dma.local [spmem:s10], $0x2800  }
0x27: {  	_ =	swait.ge [sflag:s11], $0x2800  }
0x28: {  	[sflag:s11] =	ssyncset.done $0x0  }
0x29: {  	[sflag:s11] =	ssyncadd.s32 $0xFFFFD800  }
.LBB2_1:
0x2a: {  	[spmem:s10], [sflag:s6] =	dma.local [hbm:s5], $0x2800  }
0x2b: {  	_ =	swait.ge [sflag:s11], $0x2800  }
0x2c: {  	[sflag:s11] =	ssyncset.done $0x0  }
0x2d: {  	[sflag:s11] =	ssyncadd.s32 $0xFFFFD800  }
0x2e: {  	[tilespmem:s4], [sflag:$0x8] =	stream.linear.gather [hbm4b:s7+s4], $0x300, $0x38;
	[tilespmem:$0x1EE00] =	vst v63  }
0x2f: {  	_ =	swait.ge [sflag:s11], $0x300  }
0x30: {  	[sflag:s11] =	ssyncset.done $0x0  }
0x31: {  	[sflag:s11] =	ssyncadd.s32 $0xFFFFFD00  }
0x32: {  	[bflag:$0x0] =	sbarrier.arrive $0xFFFF  }
0x33: {  	[tilespmem:s13], [sflag:$0x1] =	stream.indirect.gather [hbm4b:s2+s12], $0x80, s4, s12, $0xb8;
	[tilespmem:$0x1EE00] =	vst v63  }
0x34: {  	s0 =	simm.s32 $0x100  }
0x35: {  	[tilespmem:s15], [sflag:$0x2] =	stream.indirect.gather [hbm4b:s2+s12], $0x80, s0, s12, $0xb8;
	[tilespmem:$0x1EE00] =	vst v63  }
0x36: {  	_ =	swait.ge [sflag:s16], $0x3800  }
0x37: {  	[sflag:s16] =	ssyncset.done $0x0  }
0x38: {  	s17 =	simm.s32 $0x80;
	[sflag:s16] =	ssyncadd.s32 $0xFFFFC800  }
0x39: {  	[spmem:s3] =	stream.indirect.scatter.add.f32 [tilespmem:s13], [sflag:$0x4], $0x80, s17, s12, $0xb8;
	[tilespmem:$0x1EE00] =	vst v63  }
0x3a: {  	_ = 	snop  }
0x3b: {  	[tilespmem:s19], [sflag:$0x7] =	stream.linear.gather [hbm4b:s18+s4], $0x300, $0x38;
	[tilespmem:$0x1EE00] =	vst v63  }
0x3c: {  	s20 =	simm.s32 $0x200  }
0x3d: {  	[tilespmem:s21], [sflag:$0x3] =	stream.indirect.gather [hbm4b:s2+s12], $0x80, s20, s12, $0xb8;
	[tilespmem:$0x1EE00] =	vst v63  }
0x3e: {  	_ =	swait.ge [sflag:s31], $0x3800  }
0x3f: {  	[sflag:s31] =	ssyncset.done $0x0  }
0x40: {  	s22 =	simm.s32 $0x180;
	[sflag:s31] =	ssyncadd.s32 $0xFFFFC800  }
0x41: {  	[spmem:s3] =	stream.indirect.scatter.add.f32 [tilespmem:s15], [sflag:$0x5], $0x80, s22, s12, $0xb8;
	[tilespmem:$0x1EE00] =	vst v63  }
0x42: {  	_ =	swait.ge [sflag:s23], $0x3800  }
0x43: {  	[sflag:s23] =	ssyncset.done $0x0  }
0x44: {  	[sflag:s23] =	ssyncadd.s32 $0xFFFFC800  }
0x45: {  	_ =	swait.ge [sflag:s24], $0x300  }
0x46: {  	[sflag:s24] =	ssyncset.done $0x0  }
0x47: {  	[sflag:s24] =	ssyncadd.s32 $0xFFFFFD00  }
0x48: {  	[tilespmem:s13], [sflag:$0x1] =	stream.indirect.gather [hbm4b:s2+s12], $0x80, s19, s12, $0xb8;
	[tilespmem:$0x1EE00] =	vst v63  }
0x49: {  	_ =	swait.ge [sflag:s25], $0x3800  }
0x4a: {  	[sflag:s25] =	ssyncset.done $0x0  }
0x4b: {  	[sflag:s25] =	ssyncadd.s32 $0xFFFFC800  }
0x4c: {  	[spmem:s3] =	stream.indirect.scatter.add.f32 [tilespmem:s21], [sflag:$0x6], $0x80, s26, s12, $0xb8;
	[tilespmem:$0x1EE00] =	vst v63  }
0x4d: {  	_ =	swait.ge [sflag:s28], $0x3800  }
0x4e: {  	[sflag:s28] =	ssyncset.done $0x0  }
0x4f: {  	s14 =	simm.s32 $0x2;
	s0 =	sadd.s32 $0xC0, s7;
	[sflag:s28] =	ssyncadd.s32 $0xFFFFC800  }
0x50: {  	[tilespmem:s15], [sflag:$0x2] =	stream.indirect.gather [hbm4b:s2+s12], $0x80, s29, s12, $0xb8;
	[tilespmem:$0x1EE00] =	vst v63  }
.LBB2_2:
0x51: {  	s17 =	sand.u32 $0x1, s14  }
0x52: {  	_ =	swait.ge [sflag:s16], $0x3800;
	p0 =	seq.s32 s17, $0x1;
	s17 =	simm.s32 $0x0  }
0x53: {  	p1 =	sne.s32 s14, $0x1E;
	[sflag:s16] =	ssyncset.done $0x0;
	s17 =	simm.s32 @!p0 $0x300  }
.Ltmp2:
0x54: {  	[sflag:s16] =	ssyncadd.s32 $0xFFFFC800;
	s20 =	sor.u32 $0x80, s17;
	(pc) =	sbr.rel @!p1 .LBB2_3-.Ltmp2, $4  }
0x55: {  	[spmem:s3] =	stream.indirect.scatter.add.f32 [tilespmem:s13], [sflag:$0x4], $0x80, s20, s12, $0xb8;
	[tilespmem:$0x1EE00] =	vst v63  }
0x56: {  	_ =	swait.ge [sflag:s30], $0x3800  }
0x57: {  	[sflag:s30] =	ssyncset.done $0x0  }
0x58: {  	[sflag:s30] =	ssyncadd.s32 $0xFFFFC800  }
0x59: {  	s20 =	simm.s32 $0x300  }
0x5a: {  	s20 =	simm.s32 @!p0 $0x0  }
0x5b: {  	[tilespmem:s20], [sflag:$0x7] =	stream.linear.gather [hbm4b:s0+s4], $0x300, $0x38;
	[tilespmem:$0x1EE00] =	vst v63  }
0x5c: {  	s22 =	sadd.s32 $0x200, s17  }
0x5d: {  	[tilespmem:s21], [sflag:$0x3] =	stream.indirect.gather [hbm4b:s2+s12], $0x80, s22, s12, $0xb8;
	[tilespmem:$0x1EE00] =	vst v63  }
0x5e: {  	_ =	swait.ge [sflag:s31], $0x3800  }
0x5f: {  	[sflag:s31] =	ssyncset.done $0x0  }
0x60: {  	s22 =	sadd.s32 $0x180, s17;
	[sflag:s31] =	ssyncadd.s32 $0xFFFFC800  }
0x61: {  	[spmem:s3] =	stream.indirect.scatter.add.f32 [tilespmem:s15], [sflag:$0x5], $0x80, s22, s12, $0xb8;
	[tilespmem:$0x1EE00] =	vst v63  }
0x62: {  	_ =	swait.ge [sflag:s23], $0x3800  }
0x63: {  	[sflag:s23] =	ssyncset.done $0x0  }
0x64: {  	[sflag:s23] =	ssyncadd.s32 $0xFFFFC800  }
0x65: {  	_ =	swait.ge [sflag:s24], $0x300  }
0x66: {  	[sflag:s24] =	ssyncset.done $0x0  }
0x67: {  	[sflag:s24] =	ssyncadd.s32 $0xFFFFFD00  }
0x68: {  	[tilespmem:s13], [sflag:$0x1] =	stream.indirect.gather [hbm4b:s2+s12], $0x80, s20, s12, $0xb8;
	[tilespmem:$0x1EE00] =	vst v63  }
0x69: {  	_ =	swait.ge [sflag:s25], $0x3800  }
0x6a: {  	s14 =	sadd.s32 $0x1, s14;
	[sflag:s25] =	ssyncset.done $0x0  }
0x6b: {  	p0 =	sne.s32 s14, $0x1F;
	s22 =	sadd.s32 $0x280, s17;
	[sflag:s25] =	ssyncadd.s32 $0xFFFFC800  }
0x6c: {  	[spmem:s3] =	stream.indirect.scatter.add.f32 [tilespmem:s21], [sflag:$0x6], $0x80, s22, s12, $0xb8;
	[tilespmem:$0x1EE00] =	vst v63  }
.Ltmp3:
0x6d: {  	_ = 	snop;
	(pc) =	sbr.rel @p0 .LBB2_2-.Ltmp3, $4  }
.Ltmp4:
0x6e: {  	_ =	swait.ge [sflag:s28], $0x3800;
	(pc) =	sbr.rel @!p0 .LBB2_5-.Ltmp4, $4  }
0x6f: {  	[sflag:s28] =	ssyncset.done $0x0  }
0x70: {  	s0 =	sadd.s32 $0x60, s0;
	s22 =	sadd.s32 $0x100, s20;
	[sflag:s28] =	ssyncadd.s32 $0xFFFFC800  }
0x71: {  	[tilespmem:s15], [sflag:$0x2] =	stream.indirect.gather [hbm4b:s2+s12], $0x80, s22, s12, $0xb8;
	[tilespmem:$0x1EE00] =	vst v63  }
0x72: {  	_ = 	snop  }
.LBB2_6:
0x73: {  	_ =	sfence.sel $0x180000  }
0x74: {  	[bflag:$0x0] =	sbarrier.arrive $0xFFFF  }
0x75: {  	_ =	strace $0x9000004D  }
0x76: {  	s0 =	stileid.u32;
	[bflag:$0x2] =	sbarrier.arrive $0xFFFF  }
0x77: {  	p0 =	sne.s32 s0, $0x0;
	s0 =	rddreg [dreg:$0x3]  }
0x78: {  	s0 =	sadd.s32 @!p0 $0x100000, s0  }
0x79: {  	[sflag:s0] =	ssyncadd.tile.s32 @!p0 $0x1;
	_ =	shalt  }
.Lfunc_end2:
_tile_overlayer_lowered:
.L_overlay_start_2:
0x7a: {  	(tag) =	ssettag $0x2  }
0x7b: {  	s0 =	rddreg [dreg:$0x0];
	s2 =	stileid.u32  }
0x7c: {  	s1 =	rddreg [dreg:$0x1];
	p0 =	sne.s32 s2, $0x0  }
0x7d: {  	s3 =	rddreg [dreg:$0x2];
	[bflag:$0x3] =	sbarrier.arrive $0xFFFF;
	s2 =	simm.s32 @!p0 $0x1C08  }
0x7e: {  	[timem:s3], [sflag:s2] =	dma.local @!p0 [hbm:s0], s1  }
0x7f: {  	s0 =	simm.s32 @!p0 $0x8  }
0x80: {  	_ =	swait.ge @!p0 [sflag:s0], s1  }
0x81: {  	s1 =	ssub.s32 @!p0 $0x0, s1;
	[sflag:s0] =	ssyncset.done @!p0 $0x0  }
0x82: {  	[sflag:s0] =	ssyncadd.s32 @!p0 s1  }
0x83: {  	[bflag:$0x3] =	sbarrier.arrive $0xFFFF  }
0x84: {  	_ =	shalt  }

// kernel: kernel.8.cloned.1.call-start
scs
__scs_entry_jumppad:
0x0: {  	(pc) =	sbr.rel $0x88, $3  }
0x1: {  	(tag) =	ssettag $0x0;
	lr =	simm.s32 $0x1  }
0x2: {  	[smem:$0x3F9B] =	sst lr;
	_ =	strace $0xD0000000  }
0x3: {  	_ = 	snop  }
0x4: {  	_ = 	snop  }
0x5: {  	_ = 	snop  }
0x6: {  	_ = 	snop  }
0x7: {  	_ = 	snop  }
__scs_overlays_trampoline_lowered:
0x8: {  	[smem:$0x3FAA] =	sst s0  }
0x9: {  	[smem:$0x3FAB] =	sst s1  }
0xa: {  	[smem:$0x3FAC] =	sst s2  }
0xb: {  	[smem:$0x3FAD] =	sst s3  }
0xc: {  	[smem:$0x3FAE] =	sst s4  }
0xd: {  	[smem:$0x3FAF] =	sst s5  }
0xe: {  	[smem:$0x3FB0] =	sst s6  }
0xf: {  	[smem:$0x3FB1] =	sst s7  }
0x10: {  	[smem:$0x3FB2] =	sst s8  }
0x11: {  	[smem:$0x3FB3] =	sst s9;
	s0 =	simm.s32 @!p0 $0x0  }
0x12: {  	s1 =	sld [smem:$0x3F99];
	s0 =	simm.s32 @p0 $0x1  }
0x13: {  	[smem:$0x3FB4] =	sst s0;
	s0 =	simm.s32 @!p1 $0x0  }
0x14: {  	s2 =	sld [smem:$0x3F98];
	s0 =	simm.s32 @p1 $0x1  }
0x15: {  	[smem:$0x3FB5] =	sst s0;
	s0 =	simm.s32 @!p2 $0x0  }
0x16: {  	s3 =	sld [smem:$0x3FDB];
	s0 =	simm.s32 @p2 $0x1  }
0x17: {  	s4 =	simm.s32 $0x1BF5;
	[smem:$0x3FB7] =	sst s0  }
0x18: {  	s0 =	sld [smem:$0x3F9A];
	_ =	swait.ge [sflag:s4], $0x0  }
0x19: {  	s7 =	sld [smem:$0x3F9B]  }
0x1a: {  	s8 =	sadd.s32 $0xFFFFE003, lr  }
0x1b: {  	s9 =	sadd.s32 $0xFFFFFEF7, lr;
	s5 =	simm.s32 $0xFFFFFFFF;
	p2 =	slt.u32 s8, $0xFFFFF086  }
0x1c: {  	p1 =	slt.u32 s9, $0xF7A;
	s5 =	simm.s32 @!p2 $0x0  }
0x1d: {  	s5 =	simm.s32 @p1 $0x1;
	p0 =	seq.s32 s7, s2  }
0x1e: {  	s7 =	smul.u32 @!p0 $0xF7A, s2;
	p2 =	seq.s32 @!p0 s5, $0x0  }
0x1f: {  	s9 =	smul.u32 $0xF7A, s1;
	s8 =	simm.s32 @!p0 $0x1BF5;
	p2 =	por !p2, p0  }
0x20: {  	[sflag:s8] =	ssyncset.s32 @!p0 $0xFFFFF086;
	s6 =	sadd.s32 @!p0 s3, s7;
	s7 =	simm.s32 @!p0 $0x108  }
0x21: {  	s3 =	sadd.s32 s3, s9;
	s6 =	sadd.s32 @!p0 $0x88, s6;
	s7 =	simm.s32 @p2 $0x1082  }
0x22: {  	[simem:s7], [sflag:s8] =	dma.local @!p0 [hbm:s6], $0xF7A  }
0x23: {  	s9 =	sor.u32 $0xD0000000, s2;
	s6 =	simm.s32 $0x108;
	_ =	swait.ge @!p0 [sflag:s8], $0x0  }
0x24: {  	s3 =	sadd.s32 $0x88, s3;
	s6 =	simm.s32 @!p1 $0x1082;
	[sflag:s4] =	ssyncset.s32 $0xFFFFF086  }
0x25: {  	[simem:s6], [sflag:s4] =	dma.local [hbm:s3], $0xF7A  }
0x26: {  	[smem:$0x3F9B] =	sst s1;
	(tag) =	ssettag s2;
	_ =	strace s9  }
0x27: {  	s1 =	sld [smem:$0x3FAB]  }
0x28: {  	s2 =	sld [smem:$0x3FAC]  }
0x29: {  	s4 =	sld [smem:$0x3FAE]  }
0x2a: {  	p0 =	seq.s32 s5, $0x0;
	s5 =	sld [smem:$0x3FAF]  }
0x2b: {  	s6 =	sld [smem:$0x3FB0]  }
0x2c: {  	s7 =	sld [smem:$0x3FB1]  }
0x2d: {  	s3 =	simm.s32 $0x108;
	s8 =	sld [smem:$0x3FB2]  }
0x2e: {  	s3 =	simm.s32 @!p0 $0x1082;
	s9 =	sld [smem:$0x3FB3]  }
0x2f: {  	lr =	sadd.s32 s0, s3;
	s0 =	sld [smem:$0x3FAA]  }
0x30: {  	s3 =	sld [smem:$0x3FAD]  }
0x31: {  	[smem:$0x3FB6] =	sst s10  }
0x32: {  	s10 =	sld [smem:$0x3FB4];
	_ =	sdelay $0x3  }
0x33: {  	p0 =	seq.s32 s10, $0x1;
	s10 =	sld [smem:$0x3FB6];
	_ =	sdelay $0x3  }
0x34: {  	[smem:$0x3FB6] =	sst s10  }
0x35: {  	s10 =	sld [smem:$0x3FB5];
	_ =	sdelay $0x3  }
0x36: {  	p1 =	seq.s32 s10, $0x1;
	s10 =	sld [smem:$0x3FB6];
	_ =	sdelay $0x3  }
0x37: {  	[smem:$0x3FB6] =	sst s10  }
0x38: {  	s10 =	sld [smem:$0x3FB7]  }
0x39: {  	_ = 	snop;
	(pc) =	sbr.ind lr, $3  }
0x3a: {  	_ = 	snop  }
0x3b: {  	_ = 	snop  }
0x3c: {  	p2 =	seq.s32 s10, $0x1;
	s10 =	sld [smem:$0x3FB6]  }
0x3d: {  	_ =	shalt  }
0x3e: {  	_ =	shalt  }
0x3f: {  	_ =	shalt  }
0x40: {  	_ =	shalt  }
0x41: {  	_ =	shalt  }
0x42: {  	_ =	shalt  }
0x43: {  	_ =	shalt  }
0x44: {  	_ =	shalt  }
0x45: {  	_ =	shalt  }
0x46: {  	_ =	shalt  }
0x47: {  	_ =	shalt  }
0x48: {  	_ =	shalt  }
0x49: {  	_ =	shalt  }
0x4a: {  	_ =	shalt  }
0x4b: {  	_ =	shalt  }
0x4c: {  	_ =	shalt  }
0x4d: {  	_ =	shalt  }
0x4e: {  	_ =	shalt  }
0x4f: {  	_ =	shalt  }
0x50: {  	_ =	shalt  }
0x51: {  	_ =	shalt  }
0x52: {  	_ =	shalt  }
0x53: {  	_ =	shalt  }
0x54: {  	_ =	shalt  }
0x55: {  	_ =	shalt  }
0x56: {  	_ =	shalt  }
0x57: {  	_ =	shalt  }
0x58: {  	_ =	shalt  }
0x59: {  	_ =	shalt  }
0x5a: {  	_ =	shalt  }
0x5b: {  	_ =	shalt  }
0x5c: {  	_ =	shalt  }
0x5d: {  	_ =	shalt  }
0x5e: {  	_ =	shalt  }
0x5f: {  	_ =	shalt  }
0x60: {  	_ =	shalt  }
0x61: {  	_ =	shalt  }
0x62: {  	_ =	shalt  }
0x63: {  	_ =	shalt  }
0x64: {  	_ =	shalt  }
0x65: {  	_ =	shalt  }
0x66: {  	_ =	shalt  }
0x67: {  	_ =	shalt  }
0x68: {  	_ =	shalt  }
0x69: {  	_ =	shalt  }
0x6a: {  	_ =	shalt  }
0x6b: {  	_ =	shalt  }
0x6c: {  	_ =	shalt  }
0x6d: {  	_ =	shalt  }
0x6e: {  	_ =	shalt  }
0x6f: {  	_ =	shalt  }
0x70: {  	_ =	shalt  }
0x71: {  	_ =	shalt  }
0x72: {  	_ =	shalt  }
0x73: {  	_ =	shalt  }
0x74: {  	_ =	shalt  }
0x75: {  	_ =	shalt  }
0x76: {  	_ =	shalt  }
0x77: {  	_ =	shalt  }
0x78: {  	_ =	shalt  }
0x79: {  	_ =	shalt  }
0x7a: {  	_ =	shalt  }
0x7b: {  	_ =	shalt  }
0x7c: {  	_ =	shalt  }
0x7d: {  	_ =	shalt  }
0x7e: {  	_ =	shalt  }
0x7f: {  	_ =	shalt  }
0x80: {  	_ =	shalt  }
0x81: {  	_ =	shalt  }
0x82: {  	_ =	shalt  }
0x83: {  	_ =	shalt  }
0x84: {  	_ =	shalt  }
0x85: {  	_ =	shalt  }
0x86: {  	_ =	shalt  }
0x87: {  	_ =	shalt  }
.Lfunc_end0:
.L_simem_size_0:
called_computation_lowered:
.L_overlay_start_0:
0x88: {  	s2 =	sld [smem:$0x3FD9]  }
0x89: {  	s3 =	sld [smem:$0x3FFE];
	_ =	sdelay $0x1  }
0x8a: {  	s1 =	srdreg.scid  }
0x8b: {  	s0 =	sand.u32 $0x1, s1  }
0x8c: {  	s17 =	sshll.u32 s0, $0xA;
	s2 =	sadd.s32 s3, s2  }
0x8d: {  	s2 =	sadd.s32 s2, s17  }
0x8e: {  	[smem:$0x3FC2] =	sst s2  }
0x8f: {  	_ = 	snop  }
0x90: {  	s2 =	sld [smem:$0x3FD0];
	(tm) =	ssettm $0x1  }
0x91: {  	s18 =	sld [smem:$0x3FFB];
	_ =	sdelay $0x3  }
0x92: {  	_ =	strace s18  }
0x93: {  	s3 =	sld [smem:$0x3FFC];
	_ =	sdelay $0x3  }
0x94: {  	_ =	strace s3  }
0x95: {  	s3 =	sld [smem:$0x3FFD];
	_ =	sdelay $0x3  }
0x96: {  	_ =	strace s3  }
0x97: {  	_ =	strace $0x8FFFFFFF  }
0x98: {  	s19 =	sld [smem:$0x3FDB];
	_ =	sdelay $0x1  }
0x99: {  	s4 =	simm.s32 $_scs_section_size  }
0x9a: {  	s5 =	simm.s32 $_size__tile_overlayer_lowered;
	s6 =	simm.s32 $_tile_overlayer_lowered  }
0x9b: {  	s22 =	simm.s32 $0x1BFF;
	s21 =	sshll.u32 s6, $0x1;
	s3 =	sadd.s32 s4, s19  }
0x9c: {  	s7 =	simm.s32 $0x0;
	s20 =	sshll.u32 s5, $0x1;
	s5 =	sadd.s32 s21, s3  }
0x9d: {  	[timem:s7], [sflag:s22] =	dma.local [hbm:s5], s20  }
0x9e: {  	_ =	swait.ge [sflag:s22], s20  }
0x9f: {  	s4 =	ssub.s32 $0x0, s20;
	[sflag:s22] =	ssyncset.done $0x0  }
0xa0: {  	[sflag:s22] =	ssyncadd.s32 s4;
	_ =	sdelay $0x1  }
0xa1: {  	s23 =	simm.s32 $0x1B8B  }
0xa2: {  	_ =	swait.ge [sflag:s23], $0x1  }
0xa3: {  	[sflag:s23] =	ssyncset.done $0x0  }
0xa4: {  	s25 =	simm.s32 $0x1B8E;
	s24 =	sld [smem:$0x3FFE];
	[sflag:s23] =	ssyncadd.s32 $0xFFFFFFFF  }
0xa5: {  	s26 =	simm.s32 $execute0_lowered;
	[smem:$0x3FD2] =	sst s25  }
0xa6: {  	s5 =	sshll.u32 s26, $0x1;
	_ =	strace $0x80000046;
	[dreg:$0x1] =	wrdreg $0xFFFFFFFF  }
0xa7: {  	s28 =	simm.s32 $_size_execute0_lowered;
	s3 =	sadd.s32 s3, s5;
	[dreg:$0x0] =	wrdreg $0x0  }
0xa8: {  	s5 =	sshll.u32 s28, $0x1;
	[dreg:$0x2] =	wrdreg s3  }
0xa9: {  	[dreg:$0x3] =	wrdreg s5  }
0xaa: {  	[dreg:$0x4] =	wrdreg $0xC0  }
0xab: {  	_ =	task [dreg:s7], $0x5FFFF  }
0xac: {  	[dreg:$0x1] =	wrdreg $0xFFFFFFFF  }
0xad: {  	[dreg:$0x0] =	wrdreg $0x60  }
0xae: {  	[dreg:$0x2] =	wrdreg s24  }
0xaf: {  	[dreg:$0x3] =	wrdreg s2  }
0xb0: {  	[dreg:$0x4] =	wrdreg $0x5D000  }
0xb1: {  	[dreg:$0x5] =	wrdreg $0x9  }
0xb2: {  	_ =	task.clear_ibuf [dreg:s7], $0x6FFFF;
	_ =	strace $0x90000046  }
0xb3: {  	s29 =	simm.s32 $0x9;
	_ =	strace $0x80000048  }
0xb4: {  	_ =	swait.ge [sflag:s29], $0x1  }
0xb5: {  	[sflag:s29] =	ssyncadd.s32 $0xFFFFFFFF  }
0xb6: {  	_ =	strace $0x90000048  }
0xb7: {  	_ =	sfence  }
0xb8: {  	s30 =	sld [smem:$0x0];
	_ =	sdelay $0x2  }
0xb9: {  	s31 =	sshll.u32 s1, $0xD;
	s1 =	sshrl.u32 s1, $0x2  }
0xba: {  	s3 =	sand.u32 $0x4000, s31;
	s1 =	sadd.s32 s1, s30  }
0xbb: {  	s0 =	sor.u32 s3, s0;
	s1 =	sshll.u32 s1, $0x11  }
0xbc: {  	s0 =	sor.u32 s1, s0  }
0xbd: {  	s0 =	sadd.s32 $0x8F2B, s0  }
0xbe: {  	[sflag:s0] =	ssyncadd.remote.s32 $0x1  }
0xbf: {  	_ =	sfence.sel $0xFFFF  }
0xc0: {  	[dreg:$0x0] =	wrdreg $0xFFFFFFFF;
	(pc) =	sbr.abs _section_cstart, $3  }
0xc1: {  	[dreg:$0x1] =	wrdreg $0xFFFFFFFF  }
0xc2: {  	_ =	task.clear_ibuf [dreg:s7], $0x2FFFF;
	_ =	strace $0x9FFFFFFF  }
0xc3: {  	(tm) =	ssettm $0x7FFFFFFF  }
tec
execute0_lowered:
.L_overlay_start_1:
0x0: {  	(tag) =	ssettag $0x1  }
0x1: {  	s4 =	rddreg [dreg:$0x0]  }
0x2: {  	s6 =	rddreg [dreg:$0x1]  }
0x3: {  	s0 =	srdreg.scid;
	s2 =	rddreg [dreg:$0x2]  }
0x4: {  	s3 =	simm.s32 $0x0;
	s11 =	simm.s32 $0x5A00;
	s14 =	simm.s32 $0x20  }
0x5: {  	s15 =	simm.s32 $0x10;
	s5 =	sand.u32 $0x1, s0;
	s0 =	stileid.u32  }
0x6: {  	s16 =	simm.s32 $0x0;
	[smem:$0x7FF] =	sst s3;
	s8 =	smul.u32 $0xA00, s0  }
0x7: {  	s1 =	sshll.u32 s5, $0x4;
	s9 =	ssub.s32 $0x2, s5;
	s10 =	smul.u32 $0x500, s0  }
0x8: {  	s5 =	sshll.u32 s5, $0x7;
	s12 =	sshll.u32 s0, $0x6;
	s7 =	sor.u32 s0, s1  }
0x9: {  	s1 =	rddreg [dreg:$0x3];
	_ =	strace $0x80000047;
	s28 =	sshrl.u32 s9, $0x1  }
0xa: {  	s12 =	sor.u32 $0x1C01, s12;
	s7 =	smul.u32 $0xB40, s7;
	s9 =	ssub.s32 s9, s28  }
0xb: {  	s29 =	sshrl.u32 s8, $0x2;
	s30 =	sor.u32 s5, s10;
	s8 =	simm.s32 $0x5A80  }
0xc: {  	s10 =	simm.s32 $0x70;
	s31 =	sshrl.u32 s30, $0x3;
	s7 =	sadd.s32 s7, s4  }
0xd: {  	s4 =	sadd.s32 s29, s2;
	s6 =	sadd.s32 s6, s31;
	s5 =	sadd.s32 $0x2A00, s7  }
0xe: {  	v0 =	vimm.f32 $1.000000000e+00;
	v1 =	vimm.f32 $0.0e+00;
	s7 =	smax.u32 s9, $0x1;
	s9 =	simm.s32 $0x1;
	s13 =	sshrl.u32 s4, $0x3  }
.LBB2_1:
0xf: {  	[tilespmem:$0x5A00] =	vst v0  }
0x10: {  	[tilespmem:$0x5A10] =	vst v0  }
0x11: {  	[tilespmem:$0x5A20] =	vst v0  }
0x12: {  	[tilespmem:$0x5A30] =	vst v0  }
0x13: {  	[tilespmem:$0x5A40] =	vst v0  }
0x14: {  	[tilespmem:$0x5A50] =	vst v0  }
0x15: {  	[tilespmem:$0x5A60] =	vst v0  }
0x16: {  	[tilespmem:$0x5A80] =	vst v1  }
0x17: {  	[tilespmem:$0x5A90] =	vst v1  }
0x18: {  	[tilespmem:$0x5AA0] =	vst v1  }
0x19: {  	[tilespmem:$0x5AB0] =	vst v1  }
0x1a: {  	[tilespmem:$0x5AC0] =	vst v1  }
0x1b: {  	[tilespmem:$0x5AD0] =	vst v1  }
0x1c: {  	[tilespmem:$0x5AE0] =	vst v1  }
0x1d: {  	[tilespmem:$0x5AF0] =	vst v1  }
0x1e: {  	[tilespmem:$0x5B00] =	vst v1  }
0x1f: {  	[tilespmem:$0x5B10] =	vst v1  }
0x20: {  	[tilespmem:$0x5B20] =	vst v1  }
0x21: {  	[tilespmem:$0x5B30] =	vst v1  }
0x22: {  	[tilespmem:$0x5B40] =	vst v1  }
0x23: {  	[tilespmem:$0x5B50] =	vst v1  }
0x24: {  	[tilespmem:$0x5B60] =	vst v1  }
0x25: {  	[tilespmem:$0x5B70] =	vst v1  }
0x26: {  	[tilespmem:$0x5B80] =	vst v1  }
0x27: {  	[tilespmem:$0x5B90] =	vst v1  }
0x28: {  	[tilespmem:$0x5BA0] =	vst v1  }
0x29: {  	[tilespmem:$0x5BB0] =	vst v1  }
0x2a: {  	[tilespmem:$0x5BC0] =	vst v1  }
0x2b: {  	[tilespmem:$0x5BD0] =	vst v1  }
0x2c: {  	[tilespmem:$0x5BE0] =	vst v1  }
0x2d: {  	[tilespmem:$0x5BF0] =	vst v1  }
0x2e: {  	[tilespmem:$0x5C00] =	vst v1  }
0x2f: {  	[tilespmem:$0x5C10] =	vst v1  }
0x30: {  	[tilespmem:$0x5C20] =	vst v1  }
0x31: {  	[tilespmem:$0x5C30] =	vst v1  }
0x32: {  	[tilespmem:$0x5C40] =	vst v1  }
0x33: {  	[tilespmem:$0x5C50] =	vst v1  }
0x34: {  	[tilespmem:$0x5C60] =	vst v1  }
0x35: {  	[tilespmem:$0x5C70] =	vst v1  }
0x36: {  	[tilespmem:$0x5C80] =	vst v1  }
0x37: {  	[tilespmem:$0x5C90] =	vst v1  }
0x38: {  	[tilespmem:$0x5CA0] =	vst v1  }
0x39: {  	[tilespmem:$0x5CB0] =	vst v1  }
0x3a: {  	[tilespmem:$0x5CC0] =	vst v1  }
0x3b: {  	[tilespmem:$0x5CD0] =	vst v1  }
0x3c: {  	[tilespmem:$0x5CE0] =	vst v1  }
0x3d: {  	[tilespmem:$0x5CF0] =	vst v1  }
0x3e: {  	[spmem:s4] =	stream.linear.scatter [tilespmem:s8], [sflag:$0x1], $0x280, $0x38;
	[tilespmem:$0x5F80] =	vst v63  }
0x3f: {  	_ =	swait.ge [sflag:s9], $0x280  }
0x40: {  	[sflag:s9] =	ssyncset.done $0x0  }
0x41: {  	[sflag:s9] =	ssyncadd.s32 $0xFFFFFD80  }
0x42: {  	[tilespmem:s3], [sflag:$0x1] =	stream.linear.gather [hbm4b:s5+s3], $0x5A00, $0x38;
	[tilespmem:$0x5F80] =	vst v63  }
0x43: {  	_ =	swait.ge [sflag:s9], $0x5A00  }
0x44: {  	[sflag:s9] =	ssyncset.done $0x0  }
0x45: {  	[sflag:s9] =	ssyncadd.s32 $0xFFFFA600  }
0x46: {  	s17 =	simm.s32 $0x80;
	[bflag:$0x0] =	sbarrier.arrive $0xFFFF  }
0x47: {  	[spmem:s2] =	stream.indirect.scatter.add.f32 [tilespmem:s11], [sflag:$0x1], $0x1, s17, s10, $0xb8;
	[tilespmem:$0x5F80] =	vst v63  }
0x48: {  	_ =	swait.ge [sflag:s9], $0x70  }
0x49: {  	[sflag:s9] =	ssyncset.done $0x0  }
0x4a: {  	s30 =	simm.s32 $0x180;
	[sflag:s9] =	ssyncadd.s32 $0xFFFFFF90  }
0x4b: {  	[spmem:s2] =	stream.indirect.scatter.add.f32 [tilespmem:s11], [sflag:$0x1], $0x1, s30, s10, $0xb8;
	[tilespmem:$0x5F80] =	vst v63  }
0x4c: {  	_ =	swait.ge [sflag:s9], $0x70  }
0x4d: {  	[sflag:s9] =	ssyncset.done $0x0  }
0x4e: {  	s31 =	simm.s32 $0x280;
	[sflag:s9] =	ssyncadd.s32 $0xFFFFFF90  }
0x4f: {  	[spmem:s2] =	stream.indirect.scatter.add.f32 [tilespmem:s11], [sflag:$0x1], $0x1, s31, s10, $0xb8;
	[tilespmem:$0x5F80] =	vst v63  }
0x50: {  	_ =	swait.ge [sflag:s9], $0x70  }
0x51: {  	s18 =	simm.s32 $0xFFFEB000;
	s17 =	simm.s32 $0xFFFFA900;
	[sflag:s9] =	ssyncset.done $0x0  }
.LBB2_2:
0x52: {  	s19 =	sadd.s32 $0x5A80, s17  }
0x53: {  	[sflag:s9] =	ssyncadd.s32 $0xFFFFFF90;
	s20 =	smov.u32 s18;
	s21 =	sadd.s32 $0xC00, s18  }
0x54: {  	[spmem:s2] =	stream.indirect.scatter.add.f32 [tilespmem:s11], [sflag:$0x1], $0x1, s19, s10, $0xb8;
	[tilespmem:$0x5F80] =	vst v63  }
0x55: {  	p0 =	sne.s32 s18, $0xFFFFF400;
	_ =	swait.ge [sflag:s9], $0x70  }
0x56: {  	[sflag:s9] =	ssyncset.done $0x0  }
0x57: {  	s18 =	sadd.s32 $0x5B80, s17;
	[sflag:s9] =	ssyncadd.s32 $0xFFFFFF90  }
0x58: {  	[spmem:s2] =	stream.indirect.scatter.add.f32 [tilespmem:s11], [sflag:$0x1], $0x1, s18, s10, $0xb8;
	[tilespmem:$0x5F80] =	vst v63  }
0x59: {  	_ =	swait.ge [sflag:s9], $0x70  }
.Ltmp0:
0x5a: {  	[sflag:s9] =	ssyncset.done $0x0;
	(pc) =	sbr.rel @p0 .LBB2_2-.Ltmp0, $4  }
0x5b: {  	s17 =	sadd.s32 $0x5C80, s17;
	[sflag:s9] =	ssyncadd.s32 $0xFFFFFF90  }
0x5c: {  	[spmem:s2] =	stream.indirect.scatter.add.f32 [tilespmem:s11], [sflag:$0x1], $0x1, s17, s10, $0xb8;
	[tilespmem:$0x5F80] =	vst v63  }
0x5d: {  	_ =	swait.ge [sflag:s9], $0x70  }
0x5e: {  	s18 =	smov.u32 s21;
	s17 =	sshra.s32 s20, $0x2;
	[sflag:s9] =	ssyncset.done $0x0  }
0x5f: {  	s18 =	sadd.s32 $0x5A80, s17;
	[sflag:s9] =	ssyncadd.s32 $0xFFFFFF90  }
0x60: {  	[spmem:s2] =	stream.indirect.scatter.add.f32 [tilespmem:s11], [sflag:$0x1], $0x1, s18, s10, $0xb8;
	[tilespmem:$0x5F80] =	vst v63  }
0x61: {  	_ =	swait.ge [sflag:s9], $0x70  }
0x62: {  	[sflag:s9] =	ssyncset.done $0x0  }
0x63: {  	s30 =	sadd.s32 $0x5B80, s17;
	[sflag:s9] =	ssyncadd.s32 $0xFFFFFF90  }
0x64: {  	[spmem:s2] =	stream.indirect.scatter.add.f32 [tilespmem:s11], [sflag:$0x1], $0x1, s30, s10, $0xb8;
	[tilespmem:$0x5F80] =	vst v63  }
0x65: {  	_ =	swait.ge [sflag:s9], $0x70  }
0x66: {  	[sflag:s9] =	ssyncset.done $0x0  }
0x67: {  	s31 =	sadd.s32 $0x5C80, s17;
	[sflag:s9] =	ssyncadd.s32 $0xFFFFFF90  }
0x68: {  	[spmem:s2] =	stream.indirect.scatter.add.f32 [tilespmem:s11], [sflag:$0x1], $0x1, s31, s10, $0xb8;
	[tilespmem:$0x5F80] =	vst v63  }
0x69: {  	_ =	swait.ge [sflag:s9], $0x70  }
0x6a: {  	s16 =	sadd.s32 $0x1, s16;
	[sflag:s9] =	ssyncset.done $0x0  }
0x6b: {  	p0 =	sne.s32 s16, s7;
	[sflag:s9] =	ssyncadd.s32 $0xFFFFFF90  }
.Ltmp1:
0x6c: {  	[bflag:$0x0] =	sbarrier.arrive $0xFFFF;
	(pc) =	sbr.rel @p0 .LBB2_1-.Ltmp1, $4  }
0x6d: {  	[hbm:s6@s14], [sflag:s12] =	dma.strided [spmem:s13@s15], $0x50, s9, $0x10   }
0x6e: {  	_ =	swait.ge [sflag:s9], $0x50  }
0x6f: {  	[sflag:s9] =	ssyncset.done $0x0  }
0x70: {  	[sflag:s9] =	ssyncadd.s32 $0xFFFFFFB0  }
0x71: {  	_ =	sfence.sel $0x180000  }
0x72: {  	[bflag:$0x0] =	sbarrier.arrive $0xFFFF  }
0x73: {  	p0 =	sne.s32 s0, $0x0;
	_ =	strace $0x90000047  }
0x74: {  	s0 =	sadd.s32 @!p0 $0x100000, s1;
	[bflag:$0x2] =	sbarrier.arrive $0xFFFF  }
0x75: {  	[sflag:s0] =	ssyncadd.tile.s32 @!p0 $0x1;
	_ =	shalt  }
.Lfunc_end2:
_tile_overlayer_lowered:
.L_overlay_start_2:
0x76: {  	(tag) =	ssettag $0x2  }
0x77: {  	s0 =	rddreg [dreg:$0x0];
	s2 =	stileid.u32  }
0x78: {  	s1 =	rddreg [dreg:$0x1];
	p0 =	sne.s32 s2, $0x0  }
0x79: {  	s3 =	rddreg [dreg:$0x2];
	[bflag:$0x3] =	sbarrier.arrive $0xFFFF;
	s2 =	simm.s32 @!p0 $0x1C01  }
0x7a: {  	[timem:s3], [sflag:s2] =	dma.local @!p0 [hbm:s0], s1  }
0x7b: {  	s0 =	simm.s32 @!p0 $0x1  }
0x7c: {  	_ =	swait.ge @!p0 [sflag:s0], s1  }
0x7d: {  	s1 =	ssub.s32 @!p0 $0x0, s1;
	[sflag:s0] =	ssyncset.done @!p0 $0x0  }
0x7e: {  	[sflag:s0] =	ssyncadd.s32 @!p0 s1  }
0x7f: {  	[bflag:$0x3] =	sbarrier.arrive $0xFFFF  }
0x80: {  	_ =	shalt  }

</sc_bundles>
